<compile_context>
chip_gen: v7x
topology: tpu7x:2x2x1
jax: 0.10.2.dev20260603
libtpu: 0.0.44.dev20260713+nightly
codegen_flags: <defaults>
</compile_context>

<pallas_src>
import functools

import jax
import jax.numpy as jnp
from jax import lax
from jax.experimental import pallas as pl
from jax.experimental.pallas import tpu as pltpu
from jax.experimental.pallas import tpu_sc as plsc

L, N, D, H = 2048, 1, 1024, 16
HD = D // H
NE, TOPK, DFF, OUT = 8, 2, 256, 1024

NWORK = 32
TPW = L // NWORK
LANES = 16

BL = 2048


def _dott(a, b):
    return jax.lax.dot_general(a.astype(jnp.bfloat16), b.astype(jnp.bfloat16),
                               (((1,), (1,)), ((), ())),
                               preferred_element_type=jnp.float32)


def _sc_gating(logits):
    mesh = plsc.VectorSubcoreMesh(core_axis_name="c", subcore_axis_name="s")

    @functools.partial(
        pl.kernel, mesh=mesh,
        out_type=jax.ShapeDtypeStruct((NE * L,), jnp.float32),
        scratch_types=[pltpu.VMEM((NE * TPW,), jnp.float32),
                       pltpu.VMEM((NE * TPW,), jnp.float32)],
    )
    def k(lg_hbm, out_hbm, lg_v, wc_v):
        wid = lax.axis_index("s") * 2 + lax.axis_index("c")
        base = wid * TPW
        for e in range(NE):
            pltpu.sync_copy(lg_hbm.at[pl.ds(e * L + base, TPW)],
                            lg_v.at[pl.ds(e * TPW, TPW)])
        for g in range(TPW // LANES):
            ls = [lg_v[pl.ds(e * TPW + g * LANES, LANES)] for e in range(NE)]
            m = ls[0]
            for e in range(1, NE):
                m = jnp.maximum(m, ls[e])
            es = [jnp.exp(l - m) for l in ls]
            ssum = es[0]
            for e in range(1, NE):
                ssum = ssum + es[e]
            ps = [x / ssum for x in es]
            m1 = ps[0]
            for e in range(1, NE):
                m1 = jnp.maximum(m1, ps[e])
            i1 = jnp.full((LANES,), NE - 1, jnp.int32)
            for e in range(NE - 1, -1, -1):
                i1 = jnp.where(ps[e] == m1, jnp.full((LANES,), e, jnp.int32),
                               i1)
            ms = [jnp.where(i1 == e, jnp.full((LANES,), -1.0, jnp.float32),
                            ps[e]) for e in range(NE)]
            m2 = ms[0]
            for e in range(1, NE):
                m2 = jnp.maximum(m2, ms[e])
            i2 = jnp.full((LANES,), NE - 1, jnp.int32)
            for e in range(NE - 1, -1, -1):
                i2 = jnp.where(ms[e] == m2, jnp.full((LANES,), e, jnp.int32),
                               i2)
            denom = m1 + m2
            zero = jnp.zeros((LANES,), jnp.float32)
            for e in range(NE):
                we = (jnp.where(i1 == e, m1, zero)
                      + jnp.where(i2 == e, m2, zero)) / denom
                wc_v[pl.ds(e * TPW + g * LANES, LANES)] = we
        for e in range(NE):
            pltpu.sync_copy(wc_v.at[pl.ds(e * TPW, TPW)],
                            out_hbm.at[pl.ds(e * L + base, TPW)])

    wct = k(logits.T.reshape(NE * L))
    return wct.reshape(NE, L).T


def _moe_kernel(x2_ref, wc_ref, w1_ref, b1_ref, w2_ref, b2_ref,
                g_ref, bb_ref, o_ref, aw_ref):
    e = pl.program_id(1)
    idx = jax.lax.broadcasted_iota(jnp.int32, wc_ref.shape, 1)
    we = jnp.sum(jnp.where(idx == e, wc_ref[...], 0.0), axis=-1,
                 keepdims=True)

    h = jax.nn.relu(_dott(x2_ref[...], w1_ref[0]) + b1_ref[0])
    o = _dott(h, w2_ref[0]) + b2_ref[0]
    contrib = o * we

    @pl.when(e == 0)
    def _():
        o_ref[...] = contrib
        aw_ref[...] = jnp.full(aw_ref.shape, 1.0 / L, jnp.float32)

    @pl.when((e > 0) & (e < NE - 1))
    def _():
        o_ref[...] = o_ref[...] + contrib

    @pl.when(e == NE - 1)
    def _():
        acc = o_ref[...] + contrib
        mu = jnp.mean(acc, axis=-1, keepdims=True)
        var = jnp.mean((acc - mu) ** 2, axis=-1, keepdims=True)
        y = (acc - mu) / jnp.sqrt(var + 1e-5) * g_ref[...] + bb_ref[...]
        o_ref[...] = y * (1.0 / L)


def kernel(x, W_ip, b_ip, in_proj_w, in_proj_b, out_w, out_b, gate_w,
           gate_b, exp_w1, exp_b1, exp_w2, exp_b2, ln_g, ln_b):
    x = x.astype(jnp.float32) @ W_ip.T + b_ip
    Lx, Nx, E = x.shape
    hd = E // H
    qkv = x @ in_proj_w.T + in_proj_b
    q, k, v = jnp.split(qkv, 3, axis=-1)

    def to_heads(t):
        return t.reshape(Lx, Nx * H, hd).transpose(1, 0, 2)

    q = to_heads(q)
    k = to_heads(k)
    v = to_heads(v)

    scores = (q @ k.transpose(0, 2, 1)) / jnp.sqrt(jnp.float32(hd))
    probs = jax.nn.softmax(scores, axis=-1)
    attn = (probs @ v).transpose(1, 0, 2).reshape(Lx, Nx, E)
    x = attn @ out_w.T + out_b
    gate_logits = x @ gate_w.T + gate_b

    x2 = x.reshape(L, D)
    logits = gate_logits.reshape(L, NE)
    wc = _sc_gating(logits)

    weighted, aw = pl.pallas_call(
        _moe_kernel,
        grid=(L // BL, NE),
        in_specs=[
            pl.BlockSpec((BL, D), lambda i, e: (i, 0)),
            pl.BlockSpec((BL, NE), lambda i, e: (i, 0)),
            pl.BlockSpec((1, DFF, D), lambda i, e: (e, 0, 0)),
            pl.BlockSpec((1, 1, DFF), lambda i, e: (e, 0, 0)),
            pl.BlockSpec((1, OUT, DFF), lambda i, e: (e, 0, 0)),
            pl.BlockSpec((1, 1, OUT), lambda i, e: (e, 0, 0)),
            pl.BlockSpec((1, OUT), lambda i, e: (0, 0)),
            pl.BlockSpec((1, OUT), lambda i, e: (0, 0)),
        ],
        out_specs=[
            pl.BlockSpec((BL, OUT), lambda i, e: (i, 0)),
            pl.BlockSpec((BL, 1), lambda i, e: (i, 0)),
        ],
        out_shape=[
            jax.ShapeDtypeStruct((L, OUT), jnp.float32),
            jax.ShapeDtypeStruct((L, 1), jnp.float32),
        ],
    )(x2, wc, exp_w1, exp_b1.reshape(NE, 1, DFF), exp_w2,
      exp_b2.reshape(NE, 1, OUT), ln_g.reshape(1, OUT), ln_b.reshape(1, OUT))

    return weighted.reshape(L, 1, OUT), aw.reshape(L, 1, 1)

# --- scband reference (transcript-rebuilt; emitter-appended) ---
"""Pipeline reference for scband-mo-elayer-25537875542064 (READ-ONLY COPY).

The authoritative reference and input builder live on the scoring server;
editing this copy changes nothing except your own understanding.
"""

import jax, jax.numpy as jnp
import numpy as np

L, N, D, H = 2048, 1, 1024, 16
NE, TOPK, DFF, OUT = 8, 2, 256, 1024


def setup_inputs(seed: int = 0) -> dict:
    key = jax.random.key(seed)
    ks = jax.random.split(key, 8)
    s = 0.02
    return {
        "x": jax.random.normal(ks[0], (L, N, D), dtype=jnp.float32),
        "W_ip": jax.random.normal(ks[1], (D, D), dtype=jnp.float32) * s,
        "b_ip": jnp.zeros((D,), jnp.float32),
        "in_proj_w": jax.random.normal(ks[2], (3 * D, D), dtype=jnp.float32) * s,
        "in_proj_b": jnp.zeros((3 * D,), jnp.float32),
        "out_w": jax.random.normal(ks[3], (D, D), dtype=jnp.float32) * s,
        "out_b": jnp.zeros((D,), jnp.float32),
        "gate_w": jax.random.normal(ks[4], (NE, D), dtype=jnp.float32) * s,
        "gate_b": jnp.zeros((NE,), jnp.float32),
        "exp_w1": jax.random.normal(ks[5], (NE, DFF, D), dtype=jnp.float32) * s,
        "exp_b1": jnp.zeros((NE, DFF), jnp.float32),
        "exp_w2": jax.random.normal(ks[6], (NE, OUT, DFF), dtype=jnp.float32) * s,
        "exp_b2": jnp.zeros((NE, OUT), jnp.float32),
        "ln_g": jnp.ones((OUT,), jnp.float32),
        "ln_b": jnp.zeros((OUT,), jnp.float32),
    }


def reference(x, W_ip, b_ip, in_proj_w, in_proj_b, out_w, out_b, gate_w, gate_b,
              exp_w1, exp_b1, exp_w2, exp_b2, ln_g, ln_b):
    # input projection
    x = x.astype(jnp.float32) @ W_ip.T + b_ip
    Lx, Nx, E = x.shape
    hd = E // H
    # torch nn.MultiheadAttention (batch_first=False), self-attention, no mask
    qkv = x @ in_proj_w.T + in_proj_b
    q, k, v = jnp.split(qkv, 3, axis=-1)

    def to_heads(t):
        return t.reshape(Lx, Nx * H, hd).transpose(1, 0, 2)

    q = to_heads(q)
    k = to_heads(k)
    v = to_heads(v)
    scores = (q @ k.transpose(0, 2, 1)) / jnp.sqrt(jnp.float32(hd))
    probs = jax.nn.softmax(scores, axis=-1)  # (N*H, L, L)
    attn = (probs @ v).transpose(1, 0, 2).reshape(Lx, Nx, E)
    x = attn @ out_w.T + out_b
    attn_weights = probs.reshape(Nx, H, Lx, Lx).mean(axis=1)  # (N, L, L), head-avg
    # gating
    gate_logits = x @ gate_w.T + gate_b
    gate_probs = jax.nn.softmax(gate_logits, axis=-1)
    top_k_probs, top_k_indices = jax.lax.top_k(gate_probs, TOPK)
    top_k_probs = top_k_probs / jnp.sum(top_k_probs, axis=-1, keepdims=True)
    # experts (dense-equivalent of the masked per-expert dispatch)
    expert_outputs = jnp.zeros((Lx, Nx, OUT), jnp.float32)
    for i in range(NE):
        w_i = jnp.sum(jnp.where(top_k_indices == i, top_k_probs, 0.0), axis=-1)  # (L, N)
        h = jax.nn.relu(x @ exp_w1[i].T + exp_b1[i])
        o = h @ exp_w2[i].T + exp_b2[i]
        expert_outputs = expert_outputs + o * w_i[..., None]
    # layer norm (eps=1e-5, biased variance like torch)
    mean = expert_outputs.mean(axis=-1, keepdims=True)
    var = jnp.mean((expert_outputs - mean) ** 2, axis=-1, keepdims=True)
    eo = (expert_outputs - mean) / jnp.sqrt(var + 1e-5) * ln_g + ln_b
    # attn weight reweighting; torch .view on contiguous tensor == reshape
    aw = attn_weights.reshape(Lx, Nx, -1).mean(axis=-1, keepdims=True)
    weighted = eo * aw
    return (weighted, aw)

if __name__ == "__main__":
    import jax
    _d = setup_inputs()
    print(jax.jit(kernel)(*tuple(_d.values())))

</pallas_src>

<mosaic_0001>
#map = affine_map<(d0, d1) -> (0)>
module attributes {stable_mosaic.version = 14 : i64} {
  func.func @k(%arg0: i32, %arg1: i32, %arg2: memref<16384xf32, #tpu.memory_space<hbm>>, %arg3: memref<16384xf32, #tpu.memory_space<hbm>>, %arg4: memref<512xf32, #tpu.memory_space<vmem>>, %arg5: memref<512xf32, #tpu.memory_space<vmem>>) attributes {dimension_semantics = [#tpu.dimension_semantics<core_parallel>, #tpu.dimension_semantics<subcore_parallel>], iteration_bounds = array<i64: 2, 16>, scalar_prefetch = 0 : i64, scratch_operands = 2 : i64, tpu.core_type = #tpu.core_type<sc_vector_subcore>, window_params = [{transform_indices = #map}, {transform_indices = #map}]} {
    %mul3A = arith.constant 2 : i32
    %mul3A_0 = arith.muli %arg1, %mul3A : i32
    %add3A = arith.addi %mul3A_0, %arg0 : i32
    %mul3A_1 = arith.constant 64 : i32
    %mul3A_2 = arith.muli %add3A, %mul3A_1 : i32
    %add3A_3 = arith.constant 0 : i32
    %add3A_4 = arith.addi %add3A_3, %mul3A_2 : i32
    "tpu.region"() ({
      %run_scoped3A = tpu.sem_alloc : memref<!tpu.dma_semaphore, #tpu.memory_space<semaphore_mem>>
      %dma_start3A = arith.constant 0 : i32
      %dma_start3A_1254 = tpu.memref_slice %arg4[%dma_start3A] : memref<512xf32, #tpu.memory_space<vmem>> -> memref<64xf32, #tpu.memory_space<vmem>>
      %dma_start3A_1255 = tpu.memref_slice %arg2[%add3A_4] : memref<16384xf32, #tpu.memory_space<hbm>> -> memref<64xf32, #tpu.memory_space<hbm>>
      %dma_start3A_1256 = arith.constant 0 : i32
      %dma_start3A_1257 = tpu.memref_slice %arg4[%dma_start3A_1256] : memref<512xf32, #tpu.memory_space<vmem>> -> memref<64xf32, #tpu.memory_space<vmem>>
      %dma_start3A_1258 = tpu.memref_slice %arg2[%add3A_4] : memref<16384xf32, #tpu.memory_space<hbm>> -> memref<64xf32, #tpu.memory_space<hbm>>
      tpu.enqueue_dma source(%dma_start3A_1258 : memref<64xf32, #tpu.memory_space<hbm>>) target(%dma_start3A_1257 : memref<64xf32, #tpu.memory_space<vmem>>) target_semaphore(%run_scoped3A : memref<!tpu.dma_semaphore, #tpu.memory_space<semaphore_mem>>)
      %dma_wait3A = arith.constant 0 : i32
      %dma_wait3A_1259 = tpu.memref_slice %arg4[%dma_wait3A] : memref<512xf32, #tpu.memory_space<vmem>> -> memref<64xf32, #tpu.memory_space<vmem>>
      %dma_wait3A_1260 = tpu.memref_slice %arg2[%add3A_4] : memref<16384xf32, #tpu.memory_space<hbm>> -> memref<64xf32, #tpu.memory_space<hbm>>
      %dma_wait3A_1261 = arith.constant 0 : i32
      %dma_wait3A_1262 = tpu.memref_slice %arg4[%dma_wait3A_1261] : memref<512xf32, #tpu.memory_space<vmem>> -> memref<64xf32, #tpu.memory_space<vmem>>
      %dma_wait3A_1263 = tpu.memref_slice %arg2[%add3A_4] : memref<16384xf32, #tpu.memory_space<hbm>> -> memref<64xf32, #tpu.memory_space<hbm>>
      tpu.wait_dma2 semaphore(%run_scoped3A : memref<!tpu.dma_semaphore, #tpu.memory_space<semaphore_mem>>) src(%dma_wait3A_1263 : memref<64xf32, #tpu.memory_space<hbm>>) dst(%dma_wait3A_1262 : memref<64xf32, #tpu.memory_space<vmem>>)
      tpu.yield
    }) : () -> ()
    %add3A_5 = arith.constant 2048 : i32
    %add3A_6 = arith.addi %add3A_5, %mul3A_2 : i32
    "tpu.region"() ({
      %run_scoped3A = tpu.sem_alloc : memref<!tpu.dma_semaphore, #tpu.memory_space<semaphore_mem>>
      %dma_start3A = arith.constant 64 : i32
      %dma_start3A_1254 = tpu.memref_slice %arg4[%dma_start3A] : memref<512xf32, #tpu.memory_space<vmem>> -> memref<64xf32, #tpu.memory_space<vmem>>
      %dma_start3A_1255 = tpu.memref_slice %arg2[%add3A_6] : memref<16384xf32, #tpu.memory_space<hbm>> -> memref<64xf32, #tpu.memory_space<hbm>>
      %dma_start3A_1256 = arith.constant 64 : i32
      %dma_start3A_1257 = tpu.memref_slice %arg4[%dma_start3A_1256] : memref<512xf32, #tpu.memory_space<vmem>> -> memref<64xf32, #tpu.memory_space<vmem>>
      %dma_start3A_1258 = tpu.memref_slice %arg2[%add3A_6] : memref<16384xf32, #tpu.memory_space<hbm>> -> memref<64xf32, #tpu.memory_space<hbm>>
      tpu.enqueue_dma source(%dma_start3A_1258 : memref<64xf32, #tpu.memory_space<hbm>>) target(%dma_start3A_1257 : memref<64xf32, #tpu.memory_space<vmem>>) target_semaphore(%run_scoped3A : memref<!tpu.dma_semaphore, #tpu.memory_space<semaphore_mem>>)
      %dma_wait3A = arith.constant 64 : i32
      %dma_wait3A_1259 = tpu.memref_slice %arg4[%dma_wait3A] : memref<512xf32, #tpu.memory_space<vmem>> -> memref<64xf32, #tpu.memory_space<vmem>>
      %dma_wait3A_1260 = tpu.memref_slice %arg2[%add3A_6] : memref<16384xf32, #tpu.memory_space<hbm>> -> memref<64xf32, #tpu.memory_space<hbm>>
      %dma_wait3A_1261 = arith.constant 64 : i32
      %dma_wait3A_1262 = tpu.memref_slice %arg4[%dma_wait3A_1261] : memref<512xf32, #tpu.memory_space<vmem>> -> memref<64xf32, #tpu.memory_space<vmem>>
      %dma_wait3A_1263 = tpu.memref_slice %arg2[%add3A_6] : memref<16384xf32, #tpu.memory_space<hbm>> -> memref<64xf32, #tpu.memory_space<hbm>>
      tpu.wait_dma2 semaphore(%run_scoped3A : memref<!tpu.dma_semaphore, #tpu.memory_space<semaphore_mem>>) src(%dma_wait3A_1263 : memref<64xf32, #tpu.memory_space<hbm>>) dst(%dma_wait3A_1262 : memref<64xf32, #tpu.memory_space<vmem>>)
      tpu.yield
    }) : () -> ()
    %add3A_7 = arith.constant 4096 : i32
    %add3A_8 = arith.addi %add3A_7, %mul3A_2 : i32
    "tpu.region"() ({
      %run_scoped3A = tpu.sem_alloc : memref<!tpu.dma_semaphore, #tpu.memory_space<semaphore_mem>>
      %dma_start3A = arith.constant 128 : i32
      %dma_start3A_1254 = tpu.memref_slice %arg4[%dma_start3A] : memref<512xf32, #tpu.memory_space<vmem>> -> memref<64xf32, #tpu.memory_space<vmem>>
      %dma_start3A_1255 = tpu.memref_slice %arg2[%add3A_8] : memref<16384xf32, #tpu.memory_space<hbm>> -> memref<64xf32, #tpu.memory_space<hbm>>
      %dma_start3A_1256 = arith.constant 128 : i32
      %dma_start3A_1257 = tpu.memref_slice %arg4[%dma_start3A_1256] : memref<512xf32, #tpu.memory_space<vmem>> -> memref<64xf32, #tpu.memory_space<vmem>>
      %dma_start3A_1258 = tpu.memref_slice %arg2[%add3A_8] : memref<16384xf32, #tpu.memory_space<hbm>> -> memref<64xf32, #tpu.memory_space<hbm>>
      tpu.enqueue_dma source(%dma_start3A_1258 : memref<64xf32, #tpu.memory_space<hbm>>) target(%dma_start3A_1257 : memref<64xf32, #tpu.memory_space<vmem>>) target_semaphore(%run_scoped3A : memref<!tpu.dma_semaphore, #tpu.memory_space<semaphore_mem>>)
      %dma_wait3A = arith.constant 128 : i32
      %dma_wait3A_1259 = tpu.memref_slice %arg4[%dma_wait3A] : memref<512xf32, #tpu.memory_space<vmem>> -> memref<64xf32, #tpu.memory_space<vmem>>
      %dma_wait3A_1260 = tpu.memref_slice %arg2[%add3A_8] : memref<16384xf32, #tpu.memory_space<hbm>> -> memref<64xf32, #tpu.memory_space<hbm>>
      %dma_wait3A_1261 = arith.constant 128 : i32
      %dma_wait3A_1262 = tpu.memref_slice %arg4[%dma_wait3A_1261] : memref<512xf32, #tpu.memory_space<vmem>> -> memref<64xf32, #tpu.memory_space<vmem>>
      %dma_wait3A_1263 = tpu.memref_slice %arg2[%add3A_8] : memref<16384xf32, #tpu.memory_space<hbm>> -> memref<64xf32, #tpu.memory_space<hbm>>
      tpu.wait_dma2 semaphore(%run_scoped3A : memref<!tpu.dma_semaphore, #tpu.memory_space<semaphore_mem>>) src(%dma_wait3A_1263 : memref<64xf32, #tpu.memory_space<hbm>>) dst(%dma_wait3A_1262 : memref<64xf32, #tpu.memory_space<vmem>>)
      tpu.yield
    }) : () -> ()
    %add3A_9 = arith.constant 6144 : i32
    %add3A_10 = arith.addi %add3A_9, %mul3A_2 : i32
    "tpu.region"() ({
      %run_scoped3A = tpu.sem_alloc : memref<!tpu.dma_semaphore, #tpu.memory_space<semaphore_mem>>
      %dma_start3A = arith.constant 192 : i32
      %dma_start3A_1254 = tpu.memref_slice %arg4[%dma_start3A] : memref<512xf32, #tpu.memory_space<vmem>> -> memref<64xf32, #tpu.memory_space<vmem>>
      %dma_start3A_1255 = tpu.memref_slice %arg2[%add3A_10] : memref<16384xf32, #tpu.memory_space<hbm>> -> memref<64xf32, #tpu.memory_space<hbm>>
      %dma_start3A_1256 = arith.constant 192 : i32
      %dma_start3A_1257 = tpu.memref_slice %arg4[%dma_start3A_1256] : memref<512xf32, #tpu.memory_space<vmem>> -> memref<64xf32, #tpu.memory_space<vmem>>
      %dma_start3A_1258 = tpu.memref_slice %arg2[%add3A_10] : memref<16384xf32, #tpu.memory_space<hbm>> -> memref<64xf32, #tpu.memory_space<hbm>>
      tpu.enqueue_dma source(%dma_start3A_1258 : memref<64xf32, #tpu.memory_space<hbm>>) target(%dma_start3A_1257 : memref<64xf32, #tpu.memory_space<vmem>>) target_semaphore(%run_scoped3A : memref<!tpu.dma_semaphore, #tpu.memory_space<semaphore_mem>>)
      %dma_wait3A = arith.constant 192 : i32
      %dma_wait3A_1259 = tpu.memref_slice %arg4[%dma_wait3A] : memref<512xf32, #tpu.memory_space<vmem>> -> memref<64xf32, #tpu.memory_space<vmem>>
      %dma_wait3A_1260 = tpu.memref_slice %arg2[%add3A_10] : memref<16384xf32, #tpu.memory_space<hbm>> -> memref<64xf32, #tpu.memory_space<hbm>>
      %dma_wait3A_1261 = arith.constant 192 : i32
      %dma_wait3A_1262 = tpu.memref_slice %arg4[%dma_wait3A_1261] : memref<512xf32, #tpu.memory_space<vmem>> -> memref<64xf32, #tpu.memory_space<vmem>>
      %dma_wait3A_1263 = tpu.memref_slice %arg2[%add3A_10] : memref<16384xf32, #tpu.memory_space<hbm>> -> memref<64xf32, #tpu.memory_space<hbm>>
      tpu.wait_dma2 semaphore(%run_scoped3A : memref<!tpu.dma_semaphore, #tpu.memory_space<semaphore_mem>>) src(%dma_wait3A_1263 : memref<64xf32, #tpu.memory_space<hbm>>) dst(%dma_wait3A_1262 : memref<64xf32, #tpu.memory_space<vmem>>)
      tpu.yield
    }) : () -> ()
    %add3A_11 = arith.constant 8192 : i32
    %add3A_12 = arith.addi %add3A_11, %mul3A_2 : i32
    "tpu.region"() ({
      %run_scoped3A = tpu.sem_alloc : memref<!tpu.dma_semaphore, #tpu.memory_space<semaphore_mem>>
      %dma_start3A = arith.constant 256 : i32
      %dma_start3A_1254 = tpu.memref_slice %arg4[%dma_start3A] : memref<512xf32, #tpu.memory_space<vmem>> -> memref<64xf32, #tpu.memory_space<vmem>>
      %dma_start3A_1255 = tpu.memref_slice %arg2[%add3A_12] : memref<16384xf32, #tpu.memory_space<hbm>> -> memref<64xf32, #tpu.memory_space<hbm>>
      %dma_start3A_1256 = arith.constant 256 : i32
      %dma_start3A_1257 = tpu.memref_slice %arg4[%dma_start3A_1256] : memref<512xf32, #tpu.memory_space<vmem>> -> memref<64xf32, #tpu.memory_space<vmem>>
      %dma_start3A_1258 = tpu.memref_slice %arg2[%add3A_12] : memref<16384xf32, #tpu.memory_space<hbm>> -> memref<64xf32, #tpu.memory_space<hbm>>
      tpu.enqueue_dma source(%dma_start3A_1258 : memref<64xf32, #tpu.memory_space<hbm>>) target(%dma_start3A_1257 : memref<64xf32, #tpu.memory_space<vmem>>) target_semaphore(%run_scoped3A : memref<!tpu.dma_semaphore, #tpu.memory_space<semaphore_mem>>)
      %dma_wait3A = arith.constant 256 : i32
      %dma_wait3A_1259 = tpu.memref_slice %arg4[%dma_wait3A] : memref<512xf32, #tpu.memory_space<vmem>> -> memref<64xf32, #tpu.memory_space<vmem>>
      %dma_wait3A_1260 = tpu.memref_slice %arg2[%add3A_12] : memref<16384xf32, #tpu.memory_space<hbm>> -> memref<64xf32, #tpu.memory_space<hbm>>
      %dma_wait3A_1261 = arith.constant 256 : i32
      %dma_wait3A_1262 = tpu.memref_slice %arg4[%dma_wait3A_1261] : memref<512xf32, #tpu.memory_space<vmem>> -> memref<64xf32, #tpu.memory_space<vmem>>
      %dma_wait3A_1263 = tpu.memref_slice %arg2[%add3A_12] : memref<16384xf32, #tpu.memory_space<hbm>> -> memref<64xf32, #tpu.memory_space<hbm>>
      tpu.wait_dma2 semaphore(%run_scoped3A : memref<!tpu.dma_semaphore, #tpu.memory_space<semaphore_mem>>) src(%dma_wait3A_1263 : memref<64xf32, #tpu.memory_space<hbm>>) dst(%dma_wait3A_1262 : memref<64xf32, #tpu.memory_space<vmem>>)
      tpu.yield
    }) : () -> ()
    %add3A_13 = arith.constant 10240 : i32
    %add3A_14 = arith.addi %add3A_13, %mul3A_2 : i32
    "tpu.region"() ({
      %run_scoped3A = tpu.sem_alloc : memref<!tpu.dma_semaphore, #tpu.memory_space<semaphore_mem>>
      %dma_start3A = arith.constant 320 : i32
      %dma_start3A_1254 = tpu.memref_slice %arg4[%dma_start3A] : memref<512xf32, #tpu.memory_space<vmem>> -> memref<64xf32, #tpu.memory_space<vmem>>
      %dma_start3A_1255 = tpu.memref_slice %arg2[%add3A_14] : memref<16384xf32, #tpu.memory_space<hbm>> -> memref<64xf32, #tpu.memory_space<hbm>>
      %dma_start3A_1256 = arith.constant 320 : i32
      %dma_start3A_1257 = tpu.memref_slice %arg4[%dma_start3A_1256] : memref<512xf32, #tpu.memory_space<vmem>> -> memref<64xf32, #tpu.memory_space<vmem>>
      %dma_start3A_1258 = tpu.memref_slice %arg2[%add3A_14] : memref<16384xf32, #tpu.memory_space<hbm>> -> memref<64xf32, #tpu.memory_space<hbm>>
      tpu.enqueue_dma source(%dma_start3A_1258 : memref<64xf32, #tpu.memory_space<hbm>>) target(%dma_start3A_1257 : memref<64xf32, #tpu.memory_space<vmem>>) target_semaphore(%run_scoped3A : memref<!tpu.dma_semaphore, #tpu.memory_space<semaphore_mem>>)
      %dma_wait3A = arith.constant 320 : i32
      %dma_wait3A_1259 = tpu.memref_slice %arg4[%dma_wait3A] : memref<512xf32, #tpu.memory_space<vmem>> -> memref<64xf32, #tpu.memory_space<vmem>>
      %dma_wait3A_1260 = tpu.memref_slice %arg2[%add3A_14] : memref<16384xf32, #tpu.memory_space<hbm>> -> memref<64xf32, #tpu.memory_space<hbm>>
      %dma_wait3A_1261 = arith.constant 320 : i32
      %dma_wait3A_1262 = tpu.memref_slice %arg4[%dma_wait3A_1261] : memref<512xf32, #tpu.memory_space<vmem>> -> memref<64xf32, #tpu.memory_space<vmem>>
      %dma_wait3A_1263 = tpu.memref_slice %arg2[%add3A_14] : memref<16384xf32, #tpu.memory_space<hbm>> -> memref<64xf32, #tpu.memory_space<hbm>>
      tpu.wait_dma2 semaphore(%run_scoped3A : memref<!tpu.dma_semaphore, #tpu.memory_space<semaphore_mem>>) src(%dma_wait3A_1263 : memref<64xf32, #tpu.memory_space<hbm>>) dst(%dma_wait3A_1262 : memref<64xf32, #tpu.memory_space<vmem>>)
      tpu.yield
    }) : () -> ()
    %add3A_15 = arith.constant 12288 : i32
    %add3A_16 = arith.addi %add3A_15, %mul3A_2 : i32
    "tpu.region"() ({
      %run_scoped3A = tpu.sem_alloc : memref<!tpu.dma_semaphore, #tpu.memory_space<semaphore_mem>>
      %dma_start3A = arith.constant 384 : i32
      %dma_start3A_1254 = tpu.memref_slice %arg4[%dma_start3A] : memref<512xf32, #tpu.memory_space<vmem>> -> memref<64xf32, #tpu.memory_space<vmem>>
      %dma_start3A_1255 = tpu.memref_slice %arg2[%add3A_16] : memref<16384xf32, #tpu.memory_space<hbm>> -> memref<64xf32, #tpu.memory_space<hbm>>
      %dma_start3A_1256 = arith.constant 384 : i32
      %dma_start3A_1257 = tpu.memref_slice %arg4[%dma_start3A_1256] : memref<512xf32, #tpu.memory_space<vmem>> -> memref<64xf32, #tpu.memory_space<vmem>>
      %dma_start3A_1258 = tpu.memref_slice %arg2[%add3A_16] : memref<16384xf32, #tpu.memory_space<hbm>> -> memref<64xf32, #tpu.memory_space<hbm>>
      tpu.enqueue_dma source(%dma_start3A_1258 : memref<64xf32, #tpu.memory_space<hbm>>) target(%dma_start3A_1257 : memref<64xf32, #tpu.memory_space<vmem>>) target_semaphore(%run_scoped3A : memref<!tpu.dma_semaphore, #tpu.memory_space<semaphore_mem>>)
      %dma_wait3A = arith.constant 384 : i32
      %dma_wait3A_1259 = tpu.memref_slice %arg4[%dma_wait3A] : memref<512xf32, #tpu.memory_space<vmem>> -> memref<64xf32, #tpu.memory_space<vmem>>
      %dma_wait3A_1260 = tpu.memref_slice %arg2[%add3A_16] : memref<16384xf32, #tpu.memory_space<hbm>> -> memref<64xf32, #tpu.memory_space<hbm>>
      %dma_wait3A_1261 = arith.constant 384 : i32
      %dma_wait3A_1262 = tpu.memref_slice %arg4[%dma_wait3A_1261] : memref<512xf32, #tpu.memory_space<vmem>> -> memref<64xf32, #tpu.memory_space<vmem>>
      %dma_wait3A_1263 = tpu.memref_slice %arg2[%add3A_16] : memref<16384xf32, #tpu.memory_space<hbm>> -> memref<64xf32, #tpu.memory_space<hbm>>
      tpu.wait_dma2 semaphore(%run_scoped3A : memref<!tpu.dma_semaphore, #tpu.memory_space<semaphore_mem>>) src(%dma_wait3A_1263 : memref<64xf32, #tpu.memory_space<hbm>>) dst(%dma_wait3A_1262 : memref<64xf32, #tpu.memory_space<vmem>>)
      tpu.yield
    }) : () -> ()
    %add3A_17 = arith.constant 14336 : i32
    %add3A_18 = arith.addi %add3A_17, %mul3A_2 : i32
    "tpu.region"() ({
      %run_scoped3A = tpu.sem_alloc : memref<!tpu.dma_semaphore, #tpu.memory_space<semaphore_mem>>
      %dma_start3A = arith.constant 448 : i32
      %dma_start3A_1254 = tpu.memref_slice %arg4[%dma_start3A] : memref<512xf32, #tpu.memory_space<vmem>> -> memref<64xf32, #tpu.memory_space<vmem>>
      %dma_start3A_1255 = tpu.memref_slice %arg2[%add3A_18] : memref<16384xf32, #tpu.memory_space<hbm>> -> memref<64xf32, #tpu.memory_space<hbm>>
      %dma_start3A_1256 = arith.constant 448 : i32
      %dma_start3A_1257 = tpu.memref_slice %arg4[%dma_start3A_1256] : memref<512xf32, #tpu.memory_space<vmem>> -> memref<64xf32, #tpu.memory_space<vmem>>
      %dma_start3A_1258 = tpu.memref_slice %arg2[%add3A_18] : memref<16384xf32, #tpu.memory_space<hbm>> -> memref<64xf32, #tpu.memory_space<hbm>>
      tpu.enqueue_dma source(%dma_start3A_1258 : memref<64xf32, #tpu.memory_space<hbm>>) target(%dma_start3A_1257 : memref<64xf32, #tpu.memory_space<vmem>>) target_semaphore(%run_scoped3A : memref<!tpu.dma_semaphore, #tpu.memory_space<semaphore_mem>>)
      %dma_wait3A = arith.constant 448 : i32
      %dma_wait3A_1259 = tpu.memref_slice %arg4[%dma_wait3A] : memref<512xf32, #tpu.memory_space<vmem>> -> memref<64xf32, #tpu.memory_space<vmem>>
      %dma_wait3A_1260 = tpu.memref_slice %arg2[%add3A_18] : memref<16384xf32, #tpu.memory_space<hbm>> -> memref<64xf32, #tpu.memory_space<hbm>>
      %dma_wait3A_1261 = arith.constant 448 : i32
      %dma_wait3A_1262 = tpu.memref_slice %arg4[%dma_wait3A_1261] : memref<512xf32, #tpu.memory_space<vmem>> -> memref<64xf32, #tpu.memory_space<vmem>>
      %dma_wait3A_1263 = tpu.memref_slice %arg2[%add3A_18] : memref<16384xf32, #tpu.memory_space<hbm>> -> memref<64xf32, #tpu.memory_space<hbm>>
      tpu.wait_dma2 semaphore(%run_scoped3A : memref<!tpu.dma_semaphore, #tpu.memory_space<semaphore_mem>>) src(%dma_wait3A_1263 : memref<64xf32, #tpu.memory_space<hbm>>) dst(%dma_wait3A_1262 : memref<64xf32, #tpu.memory_space<vmem>>)
      tpu.yield
    }) : () -> ()
    %get3A = arith.constant 0 : index
    %get3A_19 = tpu.vector_load %arg4[%get3A] {strides = array<i32>} : memref<512xf32, #tpu.memory_space<vmem>>, vector<16xf32>,
    %get3A_20 = vector.shape_cast %get3A_19 : vector<16xf32> to vector<16xf32>
    %get3A_21 = arith.constant 64 : index
    %get3A_22 = tpu.vector_load %arg4[%get3A_21] {strides = array<i32>} : memref<512xf32, #tpu.memory_space<vmem>>, vector<16xf32>,
    %get3A_23 = vector.shape_cast %get3A_22 : vector<16xf32> to vector<16xf32>
    %get3A_24 = arith.constant 128 : index
    %get3A_25 = tpu.vector_load %arg4[%get3A_24] {strides = array<i32>} : memref<512xf32, #tpu.memory_space<vmem>>, vector<16xf32>,
    %get3A_26 = vector.shape_cast %get3A_25 : vector<16xf32> to vector<16xf32>
    %get3A_27 = arith.constant 192 : index
    %get3A_28 = tpu.vector_load %arg4[%get3A_27] {strides = array<i32>} : memref<512xf32, #tpu.memory_space<vmem>>, vector<16xf32>,
    %get3A_29 = vector.shape_cast %get3A_28 : vector<16xf32> to vector<16xf32>
    %get3A_30 = arith.constant 256 : index
    %get3A_31 = tpu.vector_load %arg4[%get3A_30] {strides = array<i32>} : memref<512xf32, #tpu.memory_space<vmem>>, vector<16xf32>,
    %get3A_32 = vector.shape_cast %get3A_31 : vector<16xf32> to vector<16xf32>
    %get3A_33 = arith.constant 320 : index
    %get3A_34 = tpu.vector_load %arg4[%get3A_33] {strides = array<i32>} : memref<512xf32, #tpu.memory_space<vmem>>, vector<16xf32>,
    %get3A_35 = vector.shape_cast %get3A_34 : vector<16xf32> to vector<16xf32>
    %get3A_36 = arith.constant 384 : index
    %get3A_37 = tpu.vector_load %arg4[%get3A_36] {strides = array<i32>} : memref<512xf32, #tpu.memory_space<vmem>>, vector<16xf32>,
    %get3A_38 = vector.shape_cast %get3A_37 : vector<16xf32> to vector<16xf32>
    %get3A_39 = arith.constant 448 : index
    %get3A_40 = tpu.vector_load %arg4[%get3A_39] {strides = array<i32>} : memref<512xf32, #tpu.memory_space<vmem>>, vector<16xf32>,
    %get3A_41 = vector.shape_cast %get3A_40 : vector<16xf32> to vector<16xf32>
    %max3A = arith.maximumf %get3A_20, %get3A_23 : vector<16xf32>
    %max3A_42 = arith.maximumf %max3A, %get3A_26 : vector<16xf32>
    %max3A_43 = arith.maximumf %max3A_42, %get3A_29 : vector<16xf32>
    %max3A_44 = arith.maximumf %max3A_43, %get3A_32 : vector<16xf32>
    %max3A_45 = arith.maximumf %max3A_44, %get3A_35 : vector<16xf32>
    %max3A_46 = arith.maximumf %max3A_45, %get3A_38 : vector<16xf32>
    %max3A_47 = arith.maximumf %max3A_46, %get3A_41 : vector<16xf32>
    %sub3A = arith.subf %get3A_20, %max3A_47 : vector<16xf32>
    %exp3A = math.exp %sub3A : vector<16xf32>
    %sub3A_48 = arith.subf %get3A_23, %max3A_47 : vector<16xf32>
    %exp3A_49 = math.exp %sub3A_48 : vector<16xf32>
    %sub3A_50 = arith.subf %get3A_26, %max3A_47 : vector<16xf32>
    %exp3A_51 = math.exp %sub3A_50 : vector<16xf32>
    %sub3A_52 = arith.subf %get3A_29, %max3A_47 : vector<16xf32>
    %exp3A_53 = math.exp %sub3A_52 : vector<16xf32>
    %sub3A_54 = arith.subf %get3A_32, %max3A_47 : vector<16xf32>
    %exp3A_55 = math.exp %sub3A_54 : vector<16xf32>
    %sub3A_56 = arith.subf %get3A_35, %max3A_47 : vector<16xf32>
    %exp3A_57 = math.exp %sub3A_56 : vector<16xf32>
    %sub3A_58 = arith.subf %get3A_38, %max3A_47 : vector<16xf32>
    %exp3A_59 = math.exp %sub3A_58 : vector<16xf32>
    %sub3A_60 = arith.subf %get3A_41, %max3A_47 : vector<16xf32>
    %exp3A_61 = math.exp %sub3A_60 : vector<16xf32>
    %add3A_62 = arith.addf %exp3A, %exp3A_49 : vector<16xf32>
    %add3A_63 = arith.addf %add3A_62, %exp3A_51 : vector<16xf32>
    %add3A_64 = arith.addf %add3A_63, %exp3A_53 : vector<16xf32>
    %add3A_65 = arith.addf %add3A_64, %exp3A_55 : vector<16xf32>
    %add3A_66 = arith.addf %add3A_65, %exp3A_57 : vector<16xf32>
    %add3A_67 = arith.addf %add3A_66, %exp3A_59 : vector<16xf32>
    %add3A_68 = arith.addf %add3A_67, %exp3A_61 : vector<16xf32>
    %div3A = arith.divf %exp3A, %add3A_68 : vector<16xf32>
    %div3A_69 = arith.divf %exp3A_49, %add3A_68 : vector<16xf32>
    %div3A_70 = arith.divf %exp3A_51, %add3A_68 : vector<16xf32>
    %div3A_71 = arith.divf %exp3A_53, %add3A_68 : vector<16xf32>
    %div3A_72 = arith.divf %exp3A_55, %add3A_68 : vector<16xf32>
    %div3A_73 = arith.divf %exp3A_57, %add3A_68 : vector<16xf32>
    %div3A_74 = arith.divf %exp3A_59, %add3A_68 : vector<16xf32>
    %div3A_75 = arith.divf %exp3A_61, %add3A_68 : vector<16xf32>
    %max3A_76 = arith.maximumf %div3A, %div3A_69 : vector<16xf32>
    %max3A_77 = arith.maximumf %max3A_76, %div3A_70 : vector<16xf32>
    %max3A_78 = arith.maximumf %max3A_77, %div3A_71 : vector<16xf32>
    %max3A_79 = arith.maximumf %max3A_78, %div3A_72 : vector<16xf32>
    %max3A_80 = arith.maximumf %max3A_79, %div3A_73 : vector<16xf32>
    %max3A_81 = arith.maximumf %max3A_80, %div3A_74 : vector<16xf32>
    %max3A_82 = arith.maximumf %max3A_81, %div3A_75 : vector<16xf32>
    %broadcast_in_dim3A = arith.constant 7 : i32
    %broadcast_in_dim3A_83 = vector.broadcast %broadcast_in_dim3A : i32 to vector<16xi32>
    %eq3A = arith.cmpf oeq, %div3A_75, %max3A_82 : vector<16xf32>
    %broadcast_in_dim3A_84 = arith.constant 7 : i32
    %broadcast_in_dim3A_85 = vector.broadcast %broadcast_in_dim3A_84 : i32 to vector<16xi32>
    %select_n3A = arith.select %eq3A, %broadcast_in_dim3A_85, %broadcast_in_dim3A_83 : vector<16xi1>, vector<16xi32>
    %eq3A_86 = arith.cmpf oeq, %div3A_74, %max3A_82 : vector<16xf32>
    %broadcast_in_dim3A_87 = arith.constant 6 : i32
    %broadcast_in_dim3A_88 = vector.broadcast %broadcast_in_dim3A_87 : i32 to vector<16xi32>
    %select_n3A_89 = arith.select %eq3A_86, %broadcast_in_dim3A_88, %select_n3A : vector<16xi1>, vector<16xi32>
    %eq3A_90 = arith.cmpf oeq, %div3A_73, %max3A_82 : vector<16xf32>
    %broadcast_in_dim3A_91 = arith.constant 5 : i32
    %broadcast_in_dim3A_92 = vector.broadcast %broadcast_in_dim3A_91 : i32 to vector<16xi32>
    %select_n3A_93 = arith.select %eq3A_90, %broadcast_in_dim3A_92, %select_n3A_89 : vector<16xi1>, vector<16xi32>
    %eq3A_94 = arith.cmpf oeq, %div3A_72, %max3A_82 : vector<16xf32>
    %broadcast_in_dim3A_95 = arith.constant 4 : i32
    %broadcast_in_dim3A_96 = vector.broadcast %broadcast_in_dim3A_95 : i32 to vector<16xi32>
    %select_n3A_97 = arith.select %eq3A_94, %broadcast_in_dim3A_96, %select_n3A_93 : vector<16xi1>, vector<16xi32>
    %eq3A_98 = arith.cmpf oeq, %div3A_71, %max3A_82 : vector<16xf32>
    %broadcast_in_dim3A_99 = arith.constant 3 : i32
    %broadcast_in_dim3A_100 = vector.broadcast %broadcast_in_dim3A_99 : i32 to vector<16xi32>
    %select_n3A_101 = arith.select %eq3A_98, %broadcast_in_dim3A_100, %select_n3A_97 : vector<16xi1>, vector<16xi32>
    %eq3A_102 = arith.cmpf oeq, %div3A_70, %max3A_82 : vector<16xf32>
    %broadcast_in_dim3A_103 = arith.constant 2 : i32
    %broadcast_in_dim3A_104 = vector.broadcast %broadcast_in_dim3A_103 : i32 to vector<16xi32>
    %select_n3A_105 = arith.select %eq3A_102, %broadcast_in_dim3A_104, %select_n3A_101 : vector<16xi1>, vector<16xi32>
    %eq3A_106 = arith.cmpf oeq, %div3A_69, %max3A_82 : vector<16xf32>
    %broadcast_in_dim3A_107 = arith.constant 1 : i32
    %broadcast_in_dim3A_108 = vector.broadcast %broadcast_in_dim3A_107 : i32 to vector<16xi32>
    %select_n3A_109 = arith.select %eq3A_106, %broadcast_in_dim3A_108, %select_n3A_105 : vector<16xi1>, vector<16xi32>
    %eq3A_110 = arith.cmpf oeq, %div3A, %max3A_82 : vector<16xf32>
    %broadcast_in_dim3A_111 = arith.constant 0 : i32
    %broadcast_in_dim3A_112 = vector.broadcast %broadcast_in_dim3A_111 : i32 to vector<16xi32>
    %select_n3A_113 = arith.select %eq3A_110, %broadcast_in_dim3A_112, %select_n3A_109 : vector<16xi1>, vector<16xi32>
    %eq3A_114 = arith.constant 0 : i32
    %eq3A_115 = vector.broadcast %eq3A_114 : i32 to vector<16xi32>
    %eq3A_116 = arith.cmpi eq, %select_n3A_113, %eq3A_115 : vector<16xi32>
    %broadcast_in_dim3A_117 = arith.constant -1.000000e+00 : f32
    %broadcast_in_dim3A_118 = vector.broadcast %broadcast_in_dim3A_117 : f32 to vector<16xf32>
    %select_n3A_119 = arith.select %eq3A_116, %broadcast_in_dim3A_118, %div3A : vector<16xi1>, vector<16xf32>
    %eq3A_120 = arith.constant 1 : i32
    %eq3A_121 = vector.broadcast %eq3A_120 : i32 to vector<16xi32>
    %eq3A_122 = arith.cmpi eq, %select_n3A_113, %eq3A_121 : vector<16xi32>
    %broadcast_in_dim3A_123 = arith.constant -1.000000e+00 : f32
    %broadcast_in_dim3A_124 = vector.broadcast %broadcast_in_dim3A_123 : f32 to vector<16xf32>
    %select_n3A_125 = arith.select %eq3A_122, %broadcast_in_dim3A_124, %div3A_69 : vector<16xi1>, vector<16xf32>
    %eq3A_126 = arith.constant 2 : i32
    %eq3A_127 = vector.broadcast %eq3A_126 : i32 to vector<16xi32>
    %eq3A_128 = arith.cmpi eq, %select_n3A_113, %eq3A_127 : vector<16xi32>
    %broadcast_in_dim3A_129 = arith.constant -1.000000e+00 : f32
    %broadcast_in_dim3A_130 = vector.broadcast %broadcast_in_dim3A_129 : f32 to vector<16xf32>
    %select_n3A_131 = arith.select %eq3A_128, %broadcast_in_dim3A_130, %div3A_70 : vector<16xi1>, vector<16xf32>
    %eq3A_132 = arith.constant 3 : i32
    %eq3A_133 = vector.broadcast %eq3A_132 : i32 to vector<16xi32>
    %eq3A_134 = arith.cmpi eq, %select_n3A_113, %eq3A_133 : vector<16xi32>
    %broadcast_in_dim3A_135 = arith.constant -1.000000e+00 : f32
    %broadcast_in_dim3A_136 = vector.broadcast %broadcast_in_dim3A_135 : f32 to vector<16xf32>
    %select_n3A_137 = arith.select %eq3A_134, %broadcast_in_dim3A_136, %div3A_71 : vector<16xi1>, vector<16xf32>
    %eq3A_138 = arith.constant 4 : i32
    %eq3A_139 = vector.broadcast %eq3A_138 : i32 to vector<16xi32>
    %eq3A_140 = arith.cmpi eq, %select_n3A_113, %eq3A_139 : vector<16xi32>
    %broadcast_in_dim3A_141 = arith.constant -1.000000e+00 : f32
    %broadcast_in_dim3A_142 = vector.broadcast %broadcast_in_dim3A_141 : f32 to vector<16xf32>
    %select_n3A_143 = arith.select %eq3A_140, %broadcast_in_dim3A_142, %div3A_72 : vector<16xi1>, vector<16xf32>
    %eq3A_144 = arith.constant 5 : i32
    %eq3A_145 = vector.broadcast %eq3A_144 : i32 to vector<16xi32>
    %eq3A_146 = arith.cmpi eq, %select_n3A_113, %eq3A_145 : vector<16xi32>
    %broadcast_in_dim3A_147 = arith.constant -1.000000e+00 : f32
    %broadcast_in_dim3A_148 = vector.broadcast %broadcast_in_dim3A_147 : f32 to vector<16xf32>
    %select_n3A_149 = arith.select %eq3A_146, %broadcast_in_dim3A_148, %div3A_73 : vector<16xi1>, vector<16xf32>
    %eq3A_150 = arith.constant 6 : i32
    %eq3A_151 = vector.broadcast %eq3A_150 : i32 to vector<16xi32>
    %eq3A_152 = arith.cmpi eq, %select_n3A_113, %eq3A_151 : vector<16xi32>
    %broadcast_in_dim3A_153 = arith.constant -1.000000e+00 : f32
    %broadcast_in_dim3A_154 = vector.broadcast %broadcast_in_dim3A_153 : f32 to vector<16xf32>
    %select_n3A_155 = arith.select %eq3A_152, %broadcast_in_dim3A_154, %div3A_74 : vector<16xi1>, vector<16xf32>
    %eq3A_156 = arith.constant 7 : i32
    %eq3A_157 = vector.broadcast %eq3A_156 : i32 to vector<16xi32>
    %eq3A_158 = arith.cmpi eq, %select_n3A_113, %eq3A_157 : vector<16xi32>
    %broadcast_in_dim3A_159 = arith.constant -1.000000e+00 : f32
    %broadcast_in_dim3A_160 = vector.broadcast %broadcast_in_dim3A_159 : f32 to vector<16xf32>
    %select_n3A_161 = arith.select %eq3A_158, %broadcast_in_dim3A_160, %div3A_75 : vector<16xi1>, vector<16xf32>
    %max3A_162 = arith.maximumf %select_n3A_119, %select_n3A_125 : vector<16xf32>
    %max3A_163 = arith.maximumf %max3A_162, %select_n3A_131 : vector<16xf32>
    %max3A_164 = arith.maximumf %max3A_163, %select_n3A_137 : vector<16xf32>
    %max3A_165 = arith.maximumf %max3A_164, %select_n3A_143 : vector<16xf32>
    %max3A_166 = arith.maximumf %max3A_165, %select_n3A_149 : vector<16xf32>
    %max3A_167 = arith.maximumf %max3A_166, %select_n3A_155 : vector<16xf32>
    %max3A_168 = arith.maximumf %max3A_167, %select_n3A_161 : vector<16xf32>
    %broadcast_in_dim3A_169 = arith.constant 7 : i32
    %broadcast_in_dim3A_170 = vector.broadcast %broadcast_in_dim3A_169 : i32 to vector<16xi32>
    %eq3A_171 = arith.cmpf oeq, %select_n3A_161, %max3A_168 : vector<16xf32>
    %broadcast_in_dim3A_172 = arith.constant 7 : i32
    %broadcast_in_dim3A_173 = vector.broadcast %broadcast_in_dim3A_172 : i32 to vector<16xi32>
    %select_n3A_174 = arith.select %eq3A_171, %broadcast_in_dim3A_173, %broadcast_in_dim3A_170 : vector<16xi1>, vector<16xi32>
    %eq3A_175 = arith.cmpf oeq, %select_n3A_155, %max3A_168 : vector<16xf32>
    %broadcast_in_dim3A_176 = arith.constant 6 : i32
    %broadcast_in_dim3A_177 = vector.broadcast %broadcast_in_dim3A_176 : i32 to vector<16xi32>
    %select_n3A_178 = arith.select %eq3A_175, %broadcast_in_dim3A_177, %select_n3A_174 : vector<16xi1>, vector<16xi32>
    %eq3A_179 = arith.cmpf oeq, %select_n3A_149, %max3A_168 : vector<16xf32>
    %broadcast_in_dim3A_180 = arith.constant 5 : i32
    %broadcast_in_dim3A_181 = vector.broadcast %broadcast_in_dim3A_180 : i32 to vector<16xi32>
    %select_n3A_182 = arith.select %eq3A_179, %broadcast_in_dim3A_181, %select_n3A_178 : vector<16xi1>, vector<16xi32>
    %eq3A_183 = arith.cmpf oeq, %select_n3A_143, %max3A_168 : vector<16xf32>
    %broadcast_in_dim3A_184 = arith.constant 4 : i32
    %broadcast_in_dim3A_185 = vector.broadcast %broadcast_in_dim3A_184 : i32 to vector<16xi32>
    %select_n3A_186 = arith.select %eq3A_183, %broadcast_in_dim3A_185, %select_n3A_182 : vector<16xi1>, vector<16xi32>
    %eq3A_187 = arith.cmpf oeq, %select_n3A_137, %max3A_168 : vector<16xf32>
    %broadcast_in_dim3A_188 = arith.constant 3 : i32
    %broadcast_in_dim3A_189 = vector.broadcast %broadcast_in_dim3A_188 : i32 to vector<16xi32>
    %select_n3A_190 = arith.select %eq3A_187, %broadcast_in_dim3A_189, %select_n3A_186 : vector<16xi1>, vector<16xi32>
    %eq3A_191 = arith.cmpf oeq, %select_n3A_131, %max3A_168 : vector<16xf32>
    %broadcast_in_dim3A_192 = arith.constant 2 : i32
    %broadcast_in_dim3A_193 = vector.broadcast %broadcast_in_dim3A_192 : i32 to vector<16xi32>
    %select_n3A_194 = arith.select %eq3A_191, %broadcast_in_dim3A_193, %select_n3A_190 : vector<16xi1>, vector<16xi32>
    %eq3A_195 = arith.cmpf oeq, %select_n3A_125, %max3A_168 : vector<16xf32>
    %broadcast_in_dim3A_196 = arith.constant 1 : i32
    %broadcast_in_dim3A_197 = vector.broadcast %broadcast_in_dim3A_196 : i32 to vector<16xi32>
    %select_n3A_198 = arith.select %eq3A_195, %broadcast_in_dim3A_197, %select_n3A_194 : vector<16xi1>, vector<16xi32>
    %eq3A_199 = arith.cmpf oeq, %select_n3A_119, %max3A_168 : vector<16xf32>
    %broadcast_in_dim3A_200 = arith.constant 0 : i32
    %broadcast_in_dim3A_201 = vector.broadcast %broadcast_in_dim3A_200 : i32 to vector<16xi32>
    %select_n3A_202 = arith.select %eq3A_199, %broadcast_in_dim3A_201, %select_n3A_198 : vector<16xi1>, vector<16xi32>
    %add3A_203 = arith.addf %max3A_82, %max3A_168 : vector<16xf32>
    %broadcast_in_dim3A_204 = arith.constant 0.000000e+00 : f32
    %broadcast_in_dim3A_205 = vector.broadcast %broadcast_in_dim3A_204 : f32 to vector<16xf32>
    %eq3A_206 = arith.constant 0 : i32
    %eq3A_207 = vector.broadcast %eq3A_206 : i32 to vector<16xi32>
    %eq3A_208 = arith.cmpi eq, %select_n3A_113, %eq3A_207 : vector<16xi32>
    %select_n3A_209 = arith.select %eq3A_208, %max3A_82, %broadcast_in_dim3A_205 : vector<16xi1>, vector<16xf32>
    %eq3A_210 = arith.constant 0 : i32
    %eq3A_211 = vector.broadcast %eq3A_210 : i32 to vector<16xi32>
    %eq3A_212 = arith.cmpi eq, %select_n3A_202, %eq3A_211 : vector<16xi32>
    %select_n3A_213 = arith.select %eq3A_212, %max3A_168, %broadcast_in_dim3A_205 : vector<16xi1>, vector<16xf32>
    %add3A_214 = arith.addf %select_n3A_209, %select_n3A_213 : vector<16xf32>
    %div3A_215 = arith.divf %add3A_214, %add3A_203 : vector<16xf32>
    %swap3A = arith.constant 0 : index
    %swap3A_216 = tpu.vector_load %arg5[%swap3A] {strides = array<i32>} : memref<512xf32, #tpu.memory_space<vmem>>, vector<16xf32>,
    %swap3A_217 = vector.shape_cast %swap3A_216 : vector<16xf32> to vector<16xf32>
    %swap3A_218 = vector.shape_cast %div3A_215 : vector<16xf32> to vector<16xf32>
    tpu.vector_store %arg5[%swap3A], %swap3A_218 {strides = array<i32>} : memref<512xf32, #tpu.memory_space<vmem>>, vector<16xf32>,
    %eq3A_219 = arith.constant 1 : i32
    %eq3A_220 = vector.broadcast %eq3A_219 : i32 to vector<16xi32>
    %eq3A_221 = arith.cmpi eq, %select_n3A_113, %eq3A_220 : vector<16xi32>
    %select_n3A_222 = arith.select %eq3A_221, %max3A_82, %broadcast_in_dim3A_205 : vector<16xi1>, vector<16xf32>
    %eq3A_223 = arith.constant 1 : i32
    %eq3A_224 = vector.broadcast %eq3A_223 : i32 to vector<16xi32>
    %eq3A_225 = arith.cmpi eq, %select_n3A_202, %eq3A_224 : vector<16xi32>
    %select_n3A_226 = arith.select %eq3A_225, %max3A_168, %broadcast_in_dim3A_205 : vector<16xi1>, vector<16xf32>
    %add3A_227 = arith.addf %select_n3A_222, %select_n3A_226 : vector<16xf32>
    %div3A_228 = arith.divf %add3A_227, %add3A_203 : vector<16xf32>
    %swap3A_229 = arith.constant 64 : index
    %swap3A_230 = tpu.vector_load %arg5[%swap3A_229] {strides = array<i32>} : memref<512xf32, #tpu.memory_space<vmem>>, vector<16xf32>,
    %swap3A_231 = vector.shape_cast %swap3A_230 : vector<16xf32> to vector<16xf32>
    %swap3A_232 = vector.shape_cast %div3A_228 : vector<16xf32> to vector<16xf32>
    tpu.vector_store %arg5[%swap3A_229], %swap3A_232 {strides = array<i32>} : memref<512xf32, #tpu.memory_space<vmem>>, vector<16xf32>,
    %eq3A_233 = arith.constant 2 : i32
    %eq3A_234 = vector.broadcast %eq3A_233 : i32 to vector<16xi32>
    %eq3A_235 = arith.cmpi eq, %select_n3A_113, %eq3A_234 : vector<16xi32>
    %select_n3A_236 = arith.select %eq3A_235, %max3A_82, %broadcast_in_dim3A_205 : vector<16xi1>, vector<16xf32>
    %eq3A_237 = arith.constant 2 : i32
    %eq3A_238 = vector.broadcast %eq3A_237 : i32 to vector<16xi32>
    %eq3A_239 = arith.cmpi eq, %select_n3A_202, %eq3A_238 : vector<16xi32>
    %select_n3A_240 = arith.select %eq3A_239, %max3A_168, %broadcast_in_dim3A_205 : vector<16xi1>, vector<16xf32>
    %add3A_241 = arith.addf %select_n3A_236, %select_n3A_240 : vector<16xf32>
    %div3A_242 = arith.divf %add3A_241, %add3A_203 : vector<16xf32>
    %swap3A_243 = arith.constant 128 : index
    %swap3A_244 = tpu.vector_load %arg5[%swap3A_243] {strides = array<i32>} : memref<512xf32, #tpu.memory_space<vmem>>, vector<16xf32>,
    %swap3A_245 = vector.shape_cast %swap3A_244 : vector<16xf32> to vector<16xf32>
    %swap3A_246 = vector.shape_cast %div3A_242 : vector<16xf32> to vector<16xf32>
    tpu.vector_store %arg5[%swap3A_243], %swap3A_246 {strides = array<i32>} : memref<512xf32, #tpu.memory_space<vmem>>, vector<16xf32>,
    %eq3A_247 = arith.constant 3 : i32
    %eq3A_248 = vector.broadcast %eq3A_247 : i32 to vector<16xi32>
    %eq3A_249 = arith.cmpi eq, %select_n3A_113, %eq3A_248 : vector<16xi32>
    %select_n3A_250 = arith.select %eq3A_249, %max3A_82, %broadcast_in_dim3A_205 : vector<16xi1>, vector<16xf32>
    %eq3A_251 = arith.constant 3 : i32
    %eq3A_252 = vector.broadcast %eq3A_251 : i32 to vector<16xi32>
    %eq3A_253 = arith.cmpi eq, %select_n3A_202, %eq3A_252 : vector<16xi32>
    %select_n3A_254 = arith.select %eq3A_253, %max3A_168, %broadcast_in_dim3A_205 : vector<16xi1>, vector<16xf32>
    %add3A_255 = arith.addf %select_n3A_250, %select_n3A_254 : vector<16xf32>
    %div3A_256 = arith.divf %add3A_255, %add3A_203 : vector<16xf32>
    %swap3A_257 = arith.constant 192 : index
    %swap3A_258 = tpu.vector_load %arg5[%swap3A_257] {strides = array<i32>} : memref<512xf32, #tpu.memory_space<vmem>>, vector<16xf32>,
    %swap3A_259 = vector.shape_cast %swap3A_258 : vector<16xf32> to vector<16xf32>
    %swap3A_260 = vector.shape_cast %div3A_256 : vector<16xf32> to vector<16xf32>
    tpu.vector_store %arg5[%swap3A_257], %swap3A_260 {strides = array<i32>} : memref<512xf32, #tpu.memory_space<vmem>>, vector<16xf32>,
    %eq3A_261 = arith.constant 4 : i32
    %eq3A_262 = vector.broadcast %eq3A_261 : i32 to vector<16xi32>
    %eq3A_263 = arith.cmpi eq, %select_n3A_113, %eq3A_262 : vector<16xi32>
    %select_n3A_264 = arith.select %eq3A_263, %max3A_82, %broadcast_in_dim3A_205 : vector<16xi1>, vector<16xf32>
    %eq3A_265 = arith.constant 4 : i32
    %eq3A_266 = vector.broadcast %eq3A_265 : i32 to vector<16xi32>
    %eq3A_267 = arith.cmpi eq, %select_n3A_202, %eq3A_266 : vector<16xi32>
    %select_n3A_268 = arith.select %eq3A_267, %max3A_168, %broadcast_in_dim3A_205 : vector<16xi1>, vector<16xf32>
    %add3A_269 = arith.addf %select_n3A_264, %select_n3A_268 : vector<16xf32>
    %div3A_270 = arith.divf %add3A_269, %add3A_203 : vector<16xf32>
    %swap3A_271 = arith.constant 256 : index
    %swap3A_272 = tpu.vector_load %arg5[%swap3A_271] {strides = array<i32>} : memref<512xf32, #tpu.memory_space<vmem>>, vector<16xf32>,
    %swap3A_273 = vector.shape_cast %swap3A_272 : vector<16xf32> to vector<16xf32>
    %swap3A_274 = vector.shape_cast %div3A_270 : vector<16xf32> to vector<16xf32>
    tpu.vector_store %arg5[%swap3A_271], %swap3A_274 {strides = array<i32>} : memref<512xf32, #tpu.memory_space<vmem>>, vector<16xf32>,
    %eq3A_275 = arith.constant 5 : i32
    %eq3A_276 = vector.broadcast %eq3A_275 : i32 to vector<16xi32>
    %eq3A_277 = arith.cmpi eq, %select_n3A_113, %eq3A_276 : vector<16xi32>
    %select_n3A_278 = arith.select %eq3A_277, %max3A_82, %broadcast_in_dim3A_205 : vector<16xi1>, vector<16xf32>
    %eq3A_279 = arith.constant 5 : i32
    %eq3A_280 = vector.broadcast %eq3A_279 : i32 to vector<16xi32>
    %eq3A_281 = arith.cmpi eq, %select_n3A_202, %eq3A_280 : vector<16xi32>
    %select_n3A_282 = arith.select %eq3A_281, %max3A_168, %broadcast_in_dim3A_205 : vector<16xi1>, vector<16xf32>
    %add3A_283 = arith.addf %select_n3A_278, %select_n3A_282 : vector<16xf32>
    %div3A_284 = arith.divf %add3A_283, %add3A_203 : vector<16xf32>
    %swap3A_285 = arith.constant 320 : index
    %swap3A_286 = tpu.vector_load %arg5[%swap3A_285] {strides = array<i32>} : memref<512xf32, #tpu.memory_space<vmem>>, vector<16xf32>,
    %swap3A_287 = vector.shape_cast %swap3A_286 : vector<16xf32> to vector<16xf32>
    %swap3A_288 = vector.shape_cast %div3A_284 : vector<16xf32> to vector<16xf32>
    tpu.vector_store %arg5[%swap3A_285], %swap3A_288 {strides = array<i32>} : memref<512xf32, #tpu.memory_space<vmem>>, vector<16xf32>,
    %eq3A_289 = arith.constant 6 : i32
    %eq3A_290 = vector.broadcast %eq3A_289 : i32 to vector<16xi32>
    %eq3A_291 = arith.cmpi eq, %select_n3A_113, %eq3A_290 : vector<16xi32>
    %select_n3A_292 = arith.select %eq3A_291, %max3A_82, %broadcast_in_dim3A_205 : vector<16xi1>, vector<16xf32>
    %eq3A_293 = arith.constant 6 : i32
    %eq3A_294 = vector.broadcast %eq3A_293 : i32 to vector<16xi32>
    %eq3A_295 = arith.cmpi eq, %select_n3A_202, %eq3A_294 : vector<16xi32>
    %select_n3A_296 = arith.select %eq3A_295, %max3A_168, %broadcast_in_dim3A_205 : vector<16xi1>, vector<16xf32>
    %add3A_297 = arith.addf %select_n3A_292, %select_n3A_296 : vector<16xf32>
    %div3A_298 = arith.divf %add3A_297, %add3A_203 : vector<16xf32>
    %swap3A_299 = arith.constant 384 : index
    %swap3A_300 = tpu.vector_load %arg5[%swap3A_299] {strides = array<i32>} : memref<512xf32, #tpu.memory_space<vmem>>, vector<16xf32>,
    %swap3A_301 = vector.shape_cast %swap3A_300 : vector<16xf32> to vector<16xf32>
    %swap3A_302 = vector.shape_cast %div3A_298 : vector<16xf32> to vector<16xf32>
    tpu.vector_store %arg5[%swap3A_299], %swap3A_302 {strides = array<i32>} : memref<512xf32, #tpu.memory_space<vmem>>, vector<16xf32>,
    %eq3A_303 = arith.constant 7 : i32
    %eq3A_304 = vector.broadcast %eq3A_303 : i32 to vector<16xi32>
    %eq3A_305 = arith.cmpi eq, %select_n3A_113, %eq3A_304 : vector<16xi32>
    %select_n3A_306 = arith.select %eq3A_305, %max3A_82, %broadcast_in_dim3A_205 : vector<16xi1>, vector<16xf32>
    %eq3A_307 = arith.constant 7 : i32
    %eq3A_308 = vector.broadcast %eq3A_307 : i32 to vector<16xi32>
    %eq3A_309 = arith.cmpi eq, %select_n3A_202, %eq3A_308 : vector<16xi32>
    %select_n3A_310 = arith.select %eq3A_309, %max3A_168, %broadcast_in_dim3A_205 : vector<16xi1>, vector<16xf32>
    %add3A_311 = arith.addf %select_n3A_306, %select_n3A_310 : vector<16xf32>
    %div3A_312 = arith.divf %add3A_311, %add3A_203 : vector<16xf32>
    %swap3A_313 = arith.constant 448 : index
    %swap3A_314 = tpu.vector_load %arg5[%swap3A_313] {strides = array<i32>} : memref<512xf32, #tpu.memory_space<vmem>>, vector<16xf32>,
    %swap3A_315 = vector.shape_cast %swap3A_314 : vector<16xf32> to vector<16xf32>
    %swap3A_316 = vector.shape_cast %div3A_312 : vector<16xf32> to vector<16xf32>
    tpu.vector_store %arg5[%swap3A_313], %swap3A_316 {strides = array<i32>} : memref<512xf32, #tpu.memory_space<vmem>>, vector<16xf32>,
    %get3A_317 = arith.constant 16 : index
    %get3A_318 = tpu.vector_load %arg4[%get3A_317] {strides = array<i32>} : memref<512xf32, #tpu.memory_space<vmem>>, vector<16xf32>,
    %get3A_319 = vector.shape_cast %get3A_318 : vector<16xf32> to vector<16xf32>
    %get3A_320 = arith.constant 80 : index
    %get3A_321 = tpu.vector_load %arg4[%get3A_320] {strides = array<i32>} : memref<512xf32, #tpu.memory_space<vmem>>, vector<16xf32>,
    %get3A_322 = vector.shape_cast %get3A_321 : vector<16xf32> to vector<16xf32>
    %get3A_323 = arith.constant 144 : index
    %get3A_324 = tpu.vector_load %arg4[%get3A_323] {strides = array<i32>} : memref<512xf32, #tpu.memory_space<vmem>>, vector<16xf32>,
    %get3A_325 = vector.shape_cast %get3A_324 : vector<16xf32> to vector<16xf32>
    %get3A_326 = arith.constant 208 : index
    %get3A_327 = tpu.vector_load %arg4[%get3A_326] {strides = array<i32>} : memref<512xf32, #tpu.memory_space<vmem>>, vector<16xf32>,
    %get3A_328 = vector.shape_cast %get3A_327 : vector<16xf32> to vector<16xf32>
    %get3A_329 = arith.constant 272 : index
    %get3A_330 = tpu.vector_load %arg4[%get3A_329] {strides = array<i32>} : memref<512xf32, #tpu.memory_space<vmem>>, vector<16xf32>,
    %get3A_331 = vector.shape_cast %get3A_330 : vector<16xf32> to vector<16xf32>
    %get3A_332 = arith.constant 336 : index
    %get3A_333 = tpu.vector_load %arg4[%get3A_332] {strides = array<i32>} : memref<512xf32, #tpu.memory_space<vmem>>, vector<16xf32>,
    %get3A_334 = vector.shape_cast %get3A_333 : vector<16xf32> to vector<16xf32>
    %get3A_335 = arith.constant 400 : index
    %get3A_336 = tpu.vector_load %arg4[%get3A_335] {strides = array<i32>} : memref<512xf32, #tpu.memory_space<vmem>>, vector<16xf32>,
    %get3A_337 = vector.shape_cast %get3A_336 : vector<16xf32> to vector<16xf32>
    %get3A_338 = arith.constant 464 : index
    %get3A_339 = tpu.vector_load %arg4[%get3A_338] {strides = array<i32>} : memref<512xf32, #tpu.memory_space<vmem>>, vector<16xf32>,
    %get3A_340 = vector.shape_cast %get3A_339 : vector<16xf32> to vector<16xf32>
    %max3A_341 = arith.maximumf %get3A_319, %get3A_322 : vector<16xf32>
    %max3A_342 = arith.maximumf %max3A_341, %get3A_325 : vector<16xf32>
    %max3A_343 = arith.maximumf %max3A_342, %get3A_328 : vector<16xf32>
    %max3A_344 = arith.maximumf %max3A_343, %get3A_331 : vector<16xf32>
    %max3A_345 = arith.maximumf %max3A_344, %get3A_334 : vector<16xf32>
    %max3A_346 = arith.maximumf %max3A_345, %get3A_337 : vector<16xf32>
    %max3A_347 = arith.maximumf %max3A_346, %get3A_340 : vector<16xf32>
    %sub3A_348 = arith.subf %get3A_319, %max3A_347 : vector<16xf32>
    %exp3A_349 = math.exp %sub3A_348 : vector<16xf32>
    %sub3A_350 = arith.subf %get3A_322, %max3A_347 : vector<16xf32>
    %exp3A_351 = math.exp %sub3A_350 : vector<16xf32>
    %sub3A_352 = arith.subf %get3A_325, %max3A_347 : vector<16xf32>
    %exp3A_353 = math.exp %sub3A_352 : vector<16xf32>
    %sub3A_354 = arith.subf %get3A_328, %max3A_347 : vector<16xf32>
    %exp3A_355 = math.exp %sub3A_354 : vector<16xf32>
    %sub3A_356 = arith.subf %get3A_331, %max3A_347 : vector<16xf32>
    %exp3A_357 = math.exp %sub3A_356 : vector<16xf32>
    %sub3A_358 = arith.subf %get3A_334, %max3A_347 : vector<16xf32>
    %exp3A_359 = math.exp %sub3A_358 : vector<16xf32>
    %sub3A_360 = arith.subf %get3A_337, %max3A_347 : vector<16xf32>
    %exp3A_361 = math.exp %sub3A_360 : vector<16xf32>
    %sub3A_362 = arith.subf %get3A_340, %max3A_347 : vector<16xf32>
    %exp3A_363 = math.exp %sub3A_362 : vector<16xf32>
    %add3A_364 = arith.addf %exp3A_349, %exp3A_351 : vector<16xf32>
    %add3A_365 = arith.addf %add3A_364, %exp3A_353 : vector<16xf32>
    %add3A_366 = arith.addf %add3A_365, %exp3A_355 : vector<16xf32>
    %add3A_367 = arith.addf %add3A_366, %exp3A_357 : vector<16xf32>
    %add3A_368 = arith.addf %add3A_367, %exp3A_359 : vector<16xf32>
    %add3A_369 = arith.addf %add3A_368, %exp3A_361 : vector<16xf32>
    %add3A_370 = arith.addf %add3A_369, %exp3A_363 : vector<16xf32>
    %div3A_371 = arith.divf %exp3A_349, %add3A_370 : vector<16xf32>
    %div3A_372 = arith.divf %exp3A_351, %add3A_370 : vector<16xf32>
    %div3A_373 = arith.divf %exp3A_353, %add3A_370 : vector<16xf32>
    %div3A_374 = arith.divf %exp3A_355, %add3A_370 : vector<16xf32>
    %div3A_375 = arith.divf %exp3A_357, %add3A_370 : vector<16xf32>
    %div3A_376 = arith.divf %exp3A_359, %add3A_370 : vector<16xf32>
    %div3A_377 = arith.divf %exp3A_361, %add3A_370 : vector<16xf32>
    %div3A_378 = arith.divf %exp3A_363, %add3A_370 : vector<16xf32>
    %max3A_379 = arith.maximumf %div3A_371, %div3A_372 : vector<16xf32>
    %max3A_380 = arith.maximumf %max3A_379, %div3A_373 : vector<16xf32>
    %max3A_381 = arith.maximumf %max3A_380, %div3A_374 : vector<16xf32>
    %max3A_382 = arith.maximumf %max3A_381, %div3A_375 : vector<16xf32>
    %max3A_383 = arith.maximumf %max3A_382, %div3A_376 : vector<16xf32>
    %max3A_384 = arith.maximumf %max3A_383, %div3A_377 : vector<16xf32>
    %max3A_385 = arith.maximumf %max3A_384, %div3A_378 : vector<16xf32>
    %broadcast_in_dim3A_386 = arith.constant 7 : i32
    %broadcast_in_dim3A_387 = vector.broadcast %broadcast_in_dim3A_386 : i32 to vector<16xi32>
    %eq3A_388 = arith.cmpf oeq, %div3A_378, %max3A_385 : vector<16xf32>
    %broadcast_in_dim3A_389 = arith.constant 7 : i32
    %broadcast_in_dim3A_390 = vector.broadcast %broadcast_in_dim3A_389 : i32 to vector<16xi32>
    %select_n3A_391 = arith.select %eq3A_388, %broadcast_in_dim3A_390, %broadcast_in_dim3A_387 : vector<16xi1>, vector<16xi32>
    %eq3A_392 = arith.cmpf oeq, %div3A_377, %max3A_385 : vector<16xf32>
    %broadcast_in_dim3A_393 = arith.constant 6 : i32
    %broadcast_in_dim3A_394 = vector.broadcast %broadcast_in_dim3A_393 : i32 to vector<16xi32>
    %select_n3A_395 = arith.select %eq3A_392, %broadcast_in_dim3A_394, %select_n3A_391 : vector<16xi1>, vector<16xi32>
    %eq3A_396 = arith.cmpf oeq, %div3A_376, %max3A_385 : vector<16xf32>
    %broadcast_in_dim3A_397 = arith.constant 5 : i32
    %broadcast_in_dim3A_398 = vector.broadcast %broadcast_in_dim3A_397 : i32 to vector<16xi32>
    %select_n3A_399 = arith.select %eq3A_396, %broadcast_in_dim3A_398, %select_n3A_395 : vector<16xi1>, vector<16xi32>
    %eq3A_400 = arith.cmpf oeq, %div3A_375, %max3A_385 : vector<16xf32>
    %broadcast_in_dim3A_401 = arith.constant 4 : i32
    %broadcast_in_dim3A_402 = vector.broadcast %broadcast_in_dim3A_401 : i32 to vector<16xi32>
    %select_n3A_403 = arith.select %eq3A_400, %broadcast_in_dim3A_402, %select_n3A_399 : vector<16xi1>, vector<16xi32>
    %eq3A_404 = arith.cmpf oeq, %div3A_374, %max3A_385 : vector<16xf32>
    %broadcast_in_dim3A_405 = arith.constant 3 : i32
    %broadcast_in_dim3A_406 = vector.broadcast %broadcast_in_dim3A_405 : i32 to vector<16xi32>
    %select_n3A_407 = arith.select %eq3A_404, %broadcast_in_dim3A_406, %select_n3A_403 : vector<16xi1>, vector<16xi32>
    %eq3A_408 = arith.cmpf oeq, %div3A_373, %max3A_385 : vector<16xf32>
    %broadcast_in_dim3A_409 = arith.constant 2 : i32
    %broadcast_in_dim3A_410 = vector.broadcast %broadcast_in_dim3A_409 : i32 to vector<16xi32>
    %select_n3A_411 = arith.select %eq3A_408, %broadcast_in_dim3A_410, %select_n3A_407 : vector<16xi1>, vector<16xi32>
    %eq3A_412 = arith.cmpf oeq, %div3A_372, %max3A_385 : vector<16xf32>
    %broadcast_in_dim3A_413 = arith.constant 1 : i32
    %broadcast_in_dim3A_414 = vector.broadcast %broadcast_in_dim3A_413 : i32 to vector<16xi32>
    %select_n3A_415 = arith.select %eq3A_412, %broadcast_in_dim3A_414, %select_n3A_411 : vector<16xi1>, vector<16xi32>
    %eq3A_416 = arith.cmpf oeq, %div3A_371, %max3A_385 : vector<16xf32>
    %broadcast_in_dim3A_417 = arith.constant 0 : i32
    %broadcast_in_dim3A_418 = vector.broadcast %broadcast_in_dim3A_417 : i32 to vector<16xi32>
    %select_n3A_419 = arith.select %eq3A_416, %broadcast_in_dim3A_418, %select_n3A_415 : vector<16xi1>, vector<16xi32>
    %eq3A_420 = arith.constant 0 : i32
    %eq3A_421 = vector.broadcast %eq3A_420 : i32 to vector<16xi32>
    %eq3A_422 = arith.cmpi eq, %select_n3A_419, %eq3A_421 : vector<16xi32>
    %broadcast_in_dim3A_423 = arith.constant -1.000000e+00 : f32
    %broadcast_in_dim3A_424 = vector.broadcast %broadcast_in_dim3A_423 : f32 to vector<16xf32>
    %select_n3A_425 = arith.select %eq3A_422, %broadcast_in_dim3A_424, %div3A_371 : vector<16xi1>, vector<16xf32>
    %eq3A_426 = arith.constant 1 : i32
    %eq3A_427 = vector.broadcast %eq3A_426 : i32 to vector<16xi32>
    %eq3A_428 = arith.cmpi eq, %select_n3A_419, %eq3A_427 : vector<16xi32>
    %broadcast_in_dim3A_429 = arith.constant -1.000000e+00 : f32
    %broadcast_in_dim3A_430 = vector.broadcast %broadcast_in_dim3A_429 : f32 to vector<16xf32>
    %select_n3A_431 = arith.select %eq3A_428, %broadcast_in_dim3A_430, %div3A_372 : vector<16xi1>, vector<16xf32>
    %eq3A_432 = arith.constant 2 : i32
    %eq3A_433 = vector.broadcast %eq3A_432 : i32 to vector<16xi32>
    %eq3A_434 = arith.cmpi eq, %select_n3A_419, %eq3A_433 : vector<16xi32>
    %broadcast_in_dim3A_435 = arith.constant -1.000000e+00 : f32
    %broadcast_in_dim3A_436 = vector.broadcast %broadcast_in_dim3A_435 : f32 to vector<16xf32>
    %select_n3A_437 = arith.select %eq3A_434, %broadcast_in_dim3A_436, %div3A_373 : vector<16xi1>, vector<16xf32>
    %eq3A_438 = arith.constant 3 : i32
    %eq3A_439 = vector.broadcast %eq3A_438 : i32 to vector<16xi32>
    %eq3A_440 = arith.cmpi eq, %select_n3A_419, %eq3A_439 : vector<16xi32>
    %broadcast_in_dim3A_441 = arith.constant -1.000000e+00 : f32
    %broadcast_in_dim3A_442 = vector.broadcast %broadcast_in_dim3A_441 : f32 to vector<16xf32>
    %select_n3A_443 = arith.select %eq3A_440, %broadcast_in_dim3A_442, %div3A_374 : vector<16xi1>, vector<16xf32>
    %eq3A_444 = arith.constant 4 : i32
    %eq3A_445 = vector.broadcast %eq3A_444 : i32 to vector<16xi32>
    %eq3A_446 = arith.cmpi eq, %select_n3A_419, %eq3A_445 : vector<16xi32>
    %broadcast_in_dim3A_447 = arith.constant -1.000000e+00 : f32
    %broadcast_in_dim3A_448 = vector.broadcast %broadcast_in_dim3A_447 : f32 to vector<16xf32>
    %select_n3A_449 = arith.select %eq3A_446, %broadcast_in_dim3A_448, %div3A_375 : vector<16xi1>, vector<16xf32>
    %eq3A_450 = arith.constant 5 : i32
    %eq3A_451 = vector.broadcast %eq3A_450 : i32 to vector<16xi32>
    %eq3A_452 = arith.cmpi eq, %select_n3A_419, %eq3A_451 : vector<16xi32>
    %broadcast_in_dim3A_453 = arith.constant -1.000000e+00 : f32
    %broadcast_in_dim3A_454 = vector.broadcast %broadcast_in_dim3A_453 : f32 to vector<16xf32>
    %select_n3A_455 = arith.select %eq3A_452, %broadcast_in_dim3A_454, %div3A_376 : vector<16xi1>, vector<16xf32>
    %eq3A_456 = arith.constant 6 : i32
    %eq3A_457 = vector.broadcast %eq3A_456 : i32 to vector<16xi32>
    %eq3A_458 = arith.cmpi eq, %select_n3A_419, %eq3A_457 : vector<16xi32>
    %broadcast_in_dim3A_459 = arith.constant -1.000000e+00 : f32
    %broadcast_in_dim3A_460 = vector.broadcast %broadcast_in_dim3A_459 : f32 to vector<16xf32>
    %select_n3A_461 = arith.select %eq3A_458, %broadcast_in_dim3A_460, %div3A_377 : vector<16xi1>, vector<16xf32>
    %eq3A_462 = arith.constant 7 : i32
    %eq3A_463 = vector.broadcast %eq3A_462 : i32 to vector<16xi32>
    %eq3A_464 = arith.cmpi eq, %select_n3A_419, %eq3A_463 : vector<16xi32>
    %broadcast_in_dim3A_465 = arith.constant -1.000000e+00 : f32
    %broadcast_in_dim3A_466 = vector.broadcast %broadcast_in_dim3A_465 : f32 to vector<16xf32>
    %select_n3A_467 = arith.select %eq3A_464, %broadcast_in_dim3A_466, %div3A_378 : vector<16xi1>, vector<16xf32>
    %max3A_468 = arith.maximumf %select_n3A_425, %select_n3A_431 : vector<16xf32>
    %max3A_469 = arith.maximumf %max3A_468, %select_n3A_437 : vector<16xf32>
    %max3A_470 = arith.maximumf %max3A_469, %select_n3A_443 : vector<16xf32>
    %max3A_471 = arith.maximumf %max3A_470, %select_n3A_449 : vector<16xf32>
    %max3A_472 = arith.maximumf %max3A_471, %select_n3A_455 : vector<16xf32>
    %max3A_473 = arith.maximumf %max3A_472, %select_n3A_461 : vector<16xf32>
    %max3A_474 = arith.maximumf %max3A_473, %select_n3A_467 : vector<16xf32>
    %broadcast_in_dim3A_475 = arith.constant 7 : i32
    %broadcast_in_dim3A_476 = vector.broadcast %broadcast_in_dim3A_475 : i32 to vector<16xi32>
    %eq3A_477 = arith.cmpf oeq, %select_n3A_467, %max3A_474 : vector<16xf32>
    %broadcast_in_dim3A_478 = arith.constant 7 : i32
    %broadcast_in_dim3A_479 = vector.broadcast %broadcast_in_dim3A_478 : i32 to vector<16xi32>
    %select_n3A_480 = arith.select %eq3A_477, %broadcast_in_dim3A_479, %broadcast_in_dim3A_476 : vector<16xi1>, vector<16xi32>
    %eq3A_481 = arith.cmpf oeq, %select_n3A_461, %max3A_474 : vector<16xf32>
    %broadcast_in_dim3A_482 = arith.constant 6 : i32
    %broadcast_in_dim3A_483 = vector.broadcast %broadcast_in_dim3A_482 : i32 to vector<16xi32>
    %select_n3A_484 = arith.select %eq3A_481, %broadcast_in_dim3A_483, %select_n3A_480 : vector<16xi1>, vector<16xi32>
    %eq3A_485 = arith.cmpf oeq, %select_n3A_455, %max3A_474 : vector<16xf32>
    %broadcast_in_dim3A_486 = arith.constant 5 : i32
    %broadcast_in_dim3A_487 = vector.broadcast %broadcast_in_dim3A_486 : i32 to vector<16xi32>
    %select_n3A_488 = arith.select %eq3A_485, %broadcast_in_dim3A_487, %select_n3A_484 : vector<16xi1>, vector<16xi32>
    %eq3A_489 = arith.cmpf oeq, %select_n3A_449, %max3A_474 : vector<16xf32>
    %broadcast_in_dim3A_490 = arith.constant 4 : i32
    %broadcast_in_dim3A_491 = vector.broadcast %broadcast_in_dim3A_490 : i32 to vector<16xi32>
    %select_n3A_492 = arith.select %eq3A_489, %broadcast_in_dim3A_491, %select_n3A_488 : vector<16xi1>, vector<16xi32>
    %eq3A_493 = arith.cmpf oeq, %select_n3A_443, %max3A_474 : vector<16xf32>
    %broadcast_in_dim3A_494 = arith.constant 3 : i32
    %broadcast_in_dim3A_495 = vector.broadcast %broadcast_in_dim3A_494 : i32 to vector<16xi32>
    %select_n3A_496 = arith.select %eq3A_493, %broadcast_in_dim3A_495, %select_n3A_492 : vector<16xi1>, vector<16xi32>
    %eq3A_497 = arith.cmpf oeq, %select_n3A_437, %max3A_474 : vector<16xf32>
    %broadcast_in_dim3A_498 = arith.constant 2 : i32
    %broadcast_in_dim3A_499 = vector.broadcast %broadcast_in_dim3A_498 : i32 to vector<16xi32>
    %select_n3A_500 = arith.select %eq3A_497, %broadcast_in_dim3A_499, %select_n3A_496 : vector<16xi1>, vector<16xi32>
    %eq3A_501 = arith.cmpf oeq, %select_n3A_431, %max3A_474 : vector<16xf32>
    %broadcast_in_dim3A_502 = arith.constant 1 : i32
    %broadcast_in_dim3A_503 = vector.broadcast %broadcast_in_dim3A_502 : i32 to vector<16xi32>
    %select_n3A_504 = arith.select %eq3A_501, %broadcast_in_dim3A_503, %select_n3A_500 : vector<16xi1>, vector<16xi32>
    %eq3A_505 = arith.cmpf oeq, %select_n3A_425, %max3A_474 : vector<16xf32>
    %broadcast_in_dim3A_506 = arith.constant 0 : i32
    %broadcast_in_dim3A_507 = vector.broadcast %broadcast_in_dim3A_506 : i32 to vector<16xi32>
    %select_n3A_508 = arith.select %eq3A_505, %broadcast_in_dim3A_507, %select_n3A_504 : vector<16xi1>, vector<16xi32>
    %add3A_509 = arith.addf %max3A_385, %max3A_474 : vector<16xf32>
    %broadcast_in_dim3A_510 = arith.constant 0.000000e+00 : f32
    %broadcast_in_dim3A_511 = vector.broadcast %broadcast_in_dim3A_510 : f32 to vector<16xf32>
    %eq3A_512 = arith.constant 0 : i32
    %eq3A_513 = vector.broadcast %eq3A_512 : i32 to vector<16xi32>
    %eq3A_514 = arith.cmpi eq, %select_n3A_419, %eq3A_513 : vector<16xi32>
    %select_n3A_515 = arith.select %eq3A_514, %max3A_385, %broadcast_in_dim3A_511 : vector<16xi1>, vector<16xf32>
    %eq3A_516 = arith.constant 0 : i32
    %eq3A_517 = vector.broadcast %eq3A_516 : i32 to vector<16xi32>
    %eq3A_518 = arith.cmpi eq, %select_n3A_508, %eq3A_517 : vector<16xi32>
    %select_n3A_519 = arith.select %eq3A_518, %max3A_474, %broadcast_in_dim3A_511 : vector<16xi1>, vector<16xf32>
    %add3A_520 = arith.addf %select_n3A_515, %select_n3A_519 : vector<16xf32>
    %div3A_521 = arith.divf %add3A_520, %add3A_509 : vector<16xf32>
    %swap3A_522 = arith.constant 16 : index
    %swap3A_523 = tpu.vector_load %arg5[%swap3A_522] {strides = array<i32>} : memref<512xf32, #tpu.memory_space<vmem>>, vector<16xf32>,
    %swap3A_524 = vector.shape_cast %swap3A_523 : vector<16xf32> to vector<16xf32>
    %swap3A_525 = vector.shape_cast %div3A_521 : vector<16xf32> to vector<16xf32>
    tpu.vector_store %arg5[%swap3A_522], %swap3A_525 {strides = array<i32>} : memref<512xf32, #tpu.memory_space<vmem>>, vector<16xf32>,
    %eq3A_526 = arith.constant 1 : i32
    %eq3A_527 = vector.broadcast %eq3A_526 : i32 to vector<16xi32>
    %eq3A_528 = arith.cmpi eq, %select_n3A_419, %eq3A_527 : vector<16xi32>
    %select_n3A_529 = arith.select %eq3A_528, %max3A_385, %broadcast_in_dim3A_511 : vector<16xi1>, vector<16xf32>
    %eq3A_530 = arith.constant 1 : i32
    %eq3A_531 = vector.broadcast %eq3A_530 : i32 to vector<16xi32>
    %eq3A_532 = arith.cmpi eq, %select_n3A_508, %eq3A_531 : vector<16xi32>
    %select_n3A_533 = arith.select %eq3A_532, %max3A_474, %broadcast_in_dim3A_511 : vector<16xi1>, vector<16xf32>
    %add3A_534 = arith.addf %select_n3A_529, %select_n3A_533 : vector<16xf32>
    %div3A_535 = arith.divf %add3A_534, %add3A_509 : vector<16xf32>
    %swap3A_536 = arith.constant 80 : index
    %swap3A_537 = tpu.vector_load %arg5[%swap3A_536] {strides = array<i32>} : memref<512xf32, #tpu.memory_space<vmem>>, vector<16xf32>,
    %swap3A_538 = vector.shape_cast %swap3A_537 : vector<16xf32> to vector<16xf32>
    %swap3A_539 = vector.shape_cast %div3A_535 : vector<16xf32> to vector<16xf32>
    tpu.vector_store %arg5[%swap3A_536], %swap3A_539 {strides = array<i32>} : memref<512xf32, #tpu.memory_space<vmem>>, vector<16xf32>,
    %eq3A_540 = arith.constant 2 : i32
    %eq3A_541 = vector.broadcast %eq3A_540 : i32 to vector<16xi32>
    %eq3A_542 = arith.cmpi eq, %select_n3A_419, %eq3A_541 : vector<16xi32>
    %select_n3A_543 = arith.select %eq3A_542, %max3A_385, %broadcast_in_dim3A_511 : vector<16xi1>, vector<16xf32>
    %eq3A_544 = arith.constant 2 : i32
    %eq3A_545 = vector.broadcast %eq3A_544 : i32 to vector<16xi32>
    %eq3A_546 = arith.cmpi eq, %select_n3A_508, %eq3A_545 : vector<16xi32>
    %select_n3A_547 = arith.select %eq3A_546, %max3A_474, %broadcast_in_dim3A_511 : vector<16xi1>, vector<16xf32>
    %add3A_548 = arith.addf %select_n3A_543, %select_n3A_547 : vector<16xf32>
    %div3A_549 = arith.divf %add3A_548, %add3A_509 : vector<16xf32>
    %swap3A_550 = arith.constant 144 : index
    %swap3A_551 = tpu.vector_load %arg5[%swap3A_550] {strides = array<i32>} : memref<512xf32, #tpu.memory_space<vmem>>, vector<16xf32>,
    %swap3A_552 = vector.shape_cast %swap3A_551 : vector<16xf32> to vector<16xf32>
    %swap3A_553 = vector.shape_cast %div3A_549 : vector<16xf32> to vector<16xf32>
    tpu.vector_store %arg5[%swap3A_550], %swap3A_553 {strides = array<i32>} : memref<512xf32, #tpu.memory_space<vmem>>, vector<16xf32>,
    %eq3A_554 = arith.constant 3 : i32
    %eq3A_555 = vector.broadcast %eq3A_554 : i32 to vector<16xi32>
    %eq3A_556 = arith.cmpi eq, %select_n3A_419, %eq3A_555 : vector<16xi32>
    %select_n3A_557 = arith.select %eq3A_556, %max3A_385, %broadcast_in_dim3A_511 : vector<16xi1>, vector<16xf32>
    %eq3A_558 = arith.constant 3 : i32
    %eq3A_559 = vector.broadcast %eq3A_558 : i32 to vector<16xi32>
    %eq3A_560 = arith.cmpi eq, %select_n3A_508, %eq3A_559 : vector<16xi32>
    %select_n3A_561 = arith.select %eq3A_560, %max3A_474, %broadcast_in_dim3A_511 : vector<16xi1>, vector<16xf32>
    %add3A_562 = arith.addf %select_n3A_557, %select_n3A_561 : vector<16xf32>
    %div3A_563 = arith.divf %add3A_562, %add3A_509 : vector<16xf32>
    %swap3A_564 = arith.constant 208 : index
    %swap3A_565 = tpu.vector_load %arg5[%swap3A_564] {strides = array<i32>} : memref<512xf32, #tpu.memory_space<vmem>>, vector<16xf32>,
    %swap3A_566 = vector.shape_cast %swap3A_565 : vector<16xf32> to vector<16xf32>
    %swap3A_567 = vector.shape_cast %div3A_563 : vector<16xf32> to vector<16xf32>
    tpu.vector_store %arg5[%swap3A_564], %swap3A_567 {strides = array<i32>} : memref<512xf32, #tpu.memory_space<vmem>>, vector<16xf32>,
    %eq3A_568 = arith.constant 4 : i32
    %eq3A_569 = vector.broadcast %eq3A_568 : i32 to vector<16xi32>
    %eq3A_570 = arith.cmpi eq, %select_n3A_419, %eq3A_569 : vector<16xi32>
    %select_n3A_571 = arith.select %eq3A_570, %max3A_385, %broadcast_in_dim3A_511 : vector<16xi1>, vector<16xf32>
    %eq3A_572 = arith.constant 4 : i32
    %eq3A_573 = vector.broadcast %eq3A_572 : i32 to vector<16xi32>
    %eq3A_574 = arith.cmpi eq, %select_n3A_508, %eq3A_573 : vector<16xi32>
    %select_n3A_575 = arith.select %eq3A_574, %max3A_474, %broadcast_in_dim3A_511 : vector<16xi1>, vector<16xf32>
    %add3A_576 = arith.addf %select_n3A_571, %select_n3A_575 : vector<16xf32>
    %div3A_577 = arith.divf %add3A_576, %add3A_509 : vector<16xf32>
    %swap3A_578 = arith.constant 272 : index
    %swap3A_579 = tpu.vector_load %arg5[%swap3A_578] {strides = array<i32>} : memref<512xf32, #tpu.memory_space<vmem>>, vector<16xf32>,
    %swap3A_580 = vector.shape_cast %swap3A_579 : vector<16xf32> to vector<16xf32>
    %swap3A_581 = vector.shape_cast %div3A_577 : vector<16xf32> to vector<16xf32>
    tpu.vector_store %arg5[%swap3A_578], %swap3A_581 {strides = array<i32>} : memref<512xf32, #tpu.memory_space<vmem>>, vector<16xf32>,
    %eq3A_582 = arith.constant 5 : i32
    %eq3A_583 = vector.broadcast %eq3A_582 : i32 to vector<16xi32>
    %eq3A_584 = arith.cmpi eq, %select_n3A_419, %eq3A_583 : vector<16xi32>
    %select_n3A_585 = arith.select %eq3A_584, %max3A_385, %broadcast_in_dim3A_511 : vector<16xi1>, vector<16xf32>
    %eq3A_586 = arith.constant 5 : i32
    %eq3A_587 = vector.broadcast %eq3A_586 : i32 to vector<16xi32>
    %eq3A_588 = arith.cmpi eq, %select_n3A_508, %eq3A_587 : vector<16xi32>
    %select_n3A_589 = arith.select %eq3A_588, %max3A_474, %broadcast_in_dim3A_511 : vector<16xi1>, vector<16xf32>
    %add3A_590 = arith.addf %select_n3A_585, %select_n3A_589 : vector<16xf32>
    %div3A_591 = arith.divf %add3A_590, %add3A_509 : vector<16xf32>
    %swap3A_592 = arith.constant 336 : index
    %swap3A_593 = tpu.vector_load %arg5[%swap3A_592] {strides = array<i32>} : memref<512xf32, #tpu.memory_space<vmem>>, vector<16xf32>,
    %swap3A_594 = vector.shape_cast %swap3A_593 : vector<16xf32> to vector<16xf32>
    %swap3A_595 = vector.shape_cast %div3A_591 : vector<16xf32> to vector<16xf32>
    tpu.vector_store %arg5[%swap3A_592], %swap3A_595 {strides = array<i32>} : memref<512xf32, #tpu.memory_space<vmem>>, vector<16xf32>,
    %eq3A_596 = arith.constant 6 : i32
    %eq3A_597 = vector.broadcast %eq3A_596 : i32 to vector<16xi32>
    %eq3A_598 = arith.cmpi eq, %select_n3A_419, %eq3A_597 : vector<16xi32>
    %select_n3A_599 = arith.select %eq3A_598, %max3A_385, %broadcast_in_dim3A_511 : vector<16xi1>, vector<16xf32>
    %eq3A_600 = arith.constant 6 : i32
    %eq3A_601 = vector.broadcast %eq3A_600 : i32 to vector<16xi32>
    %eq3A_602 = arith.cmpi eq, %select_n3A_508, %eq3A_601 : vector<16xi32>
    %select_n3A_603 = arith.select %eq3A_602, %max3A_474, %broadcast_in_dim3A_511 : vector<16xi1>, vector<16xf32>
    %add3A_604 = arith.addf %select_n3A_599, %select_n3A_603 : vector<16xf32>
    %div3A_605 = arith.divf %add3A_604, %add3A_509 : vector<16xf32>
    %swap3A_606 = arith.constant 400 : index
    %swap3A_607 = tpu.vector_load %arg5[%swap3A_606] {strides = array<i32>} : memref<512xf32, #tpu.memory_space<vmem>>, vector<16xf32>,
    %swap3A_608 = vector.shape_cast %swap3A_607 : vector<16xf32> to vector<16xf32>
    %swap3A_609 = vector.shape_cast %div3A_605 : vector<16xf32> to vector<16xf32>
    tpu.vector_store %arg5[%swap3A_606], %swap3A_609 {strides = array<i32>} : memref<512xf32, #tpu.memory_space<vmem>>, vector<16xf32>,
    %eq3A_610 = arith.constant 7 : i32
    %eq3A_611 = vector.broadcast %eq3A_610 : i32 to vector<16xi32>
    %eq3A_612 = arith.cmpi eq, %select_n3A_419, %eq3A_611 : vector<16xi32>
    %select_n3A_613 = arith.select %eq3A_612, %max3A_385, %broadcast_in_dim3A_511 : vector<16xi1>, vector<16xf32>
    %eq3A_614 = arith.constant 7 : i32
    %eq3A_615 = vector.broadcast %eq3A_614 : i32 to vector<16xi32>
    %eq3A_616 = arith.cmpi eq, %select_n3A_508, %eq3A_615 : vector<16xi32>
    %select_n3A_617 = arith.select %eq3A_616, %max3A_474, %broadcast_in_dim3A_511 : vector<16xi1>, vector<16xf32>
    %add3A_618 = arith.addf %select_n3A_613, %select_n3A_617 : vector<16xf32>
    %div3A_619 = arith.divf %add3A_618, %add3A_509 : vector<16xf32>
    %swap3A_620 = arith.constant 464 : index
    %swap3A_621 = tpu.vector_load %arg5[%swap3A_620] {strides = array<i32>} : memref<512xf32, #tpu.memory_space<vmem>>, vector<16xf32>,
    %swap3A_622 = vector.shape_cast %swap3A_621 : vector<16xf32> to vector<16xf32>
    %swap3A_623 = vector.shape_cast %div3A_619 : vector<16xf32> to vector<16xf32>
    tpu.vector_store %arg5[%swap3A_620], %swap3A_623 {strides = array<i32>} : memref<512xf32, #tpu.memory_space<vmem>>, vector<16xf32>,
    %get3A_624 = arith.constant 32 : index
    %get3A_625 = tpu.vector_load %arg4[%get3A_624] {strides = array<i32>} : memref<512xf32, #tpu.memory_space<vmem>>, vector<16xf32>,
    %get3A_626 = vector.shape_cast %get3A_625 : vector<16xf32> to vector<16xf32>
    %get3A_627 = arith.constant 96 : index
    %get3A_628 = tpu.vector_load %arg4[%get3A_627] {strides = array<i32>} : memref<512xf32, #tpu.memory_space<vmem>>, vector<16xf32>,
    %get3A_629 = vector.shape_cast %get3A_628 : vector<16xf32> to vector<16xf32>
    %get3A_630 = arith.constant 160 : index
    %get3A_631 = tpu.vector_load %arg4[%get3A_630] {strides = array<i32>} : memref<512xf32, #tpu.memory_space<vmem>>, vector<16xf32>,
    %get3A_632 = vector.shape_cast %get3A_631 : vector<16xf32> to vector<16xf32>
    %get3A_633 = arith.constant 224 : index
    %get3A_634 = tpu.vector_load %arg4[%get3A_633] {strides = array<i32>} : memref<512xf32, #tpu.memory_space<vmem>>, vector<16xf32>,
    %get3A_635 = vector.shape_cast %get3A_634 : vector<16xf32> to vector<16xf32>
    %get3A_636 = arith.constant 288 : index
    %get3A_637 = tpu.vector_load %arg4[%get3A_636] {strides = array<i32>} : memref<512xf32, #tpu.memory_space<vmem>>, vector<16xf32>,
    %get3A_638 = vector.shape_cast %get3A_637 : vector<16xf32> to vector<16xf32>
    %get3A_639 = arith.constant 352 : index
    %get3A_640 = tpu.vector_load %arg4[%get3A_639] {strides = array<i32>} : memref<512xf32, #tpu.memory_space<vmem>>, vector<16xf32>,
    %get3A_641 = vector.shape_cast %get3A_640 : vector<16xf32> to vector<16xf32>
    %get3A_642 = arith.constant 416 : index
    %get3A_643 = tpu.vector_load %arg4[%get3A_642] {strides = array<i32>} : memref<512xf32, #tpu.memory_space<vmem>>, vector<16xf32>,
    %get3A_644 = vector.shape_cast %get3A_643 : vector<16xf32> to vector<16xf32>
    %get3A_645 = arith.constant 480 : index
    %get3A_646 = tpu.vector_load %arg4[%get3A_645] {strides = array<i32>} : memref<512xf32, #tpu.memory_space<vmem>>, vector<16xf32>,
    %get3A_647 = vector.shape_cast %get3A_646 : vector<16xf32> to vector<16xf32>
    %max3A_648 = arith.maximumf %get3A_626, %get3A_629 : vector<16xf32>
    %max3A_649 = arith.maximumf %max3A_648, %get3A_632 : vector<16xf32>
    %max3A_650 = arith.maximumf %max3A_649, %get3A_635 : vector<16xf32>
    %max3A_651 = arith.maximumf %max3A_650, %get3A_638 : vector<16xf32>
    %max3A_652 = arith.maximumf %max3A_651, %get3A_641 : vector<16xf32>
    %max3A_653 = arith.maximumf %max3A_652, %get3A_644 : vector<16xf32>
    %max3A_654 = arith.maximumf %max3A_653, %get3A_647 : vector<16xf32>
    %sub3A_655 = arith.subf %get3A_626, %max3A_654 : vector<16xf32>
    %exp3A_656 = math.exp %sub3A_655 : vector<16xf32>
    %sub3A_657 = arith.subf %get3A_629, %max3A_654 : vector<16xf32>
    %exp3A_658 = math.exp %sub3A_657 : vector<16xf32>
    %sub3A_659 = arith.subf %get3A_632, %max3A_654 : vector<16xf32>
    %exp3A_660 = math.exp %sub3A_659 : vector<16xf32>
    %sub3A_661 = arith.subf %get3A_635, %max3A_654 : vector<16xf32>
    %exp3A_662 = math.exp %sub3A_661 : vector<16xf32>
    %sub3A_663 = arith.subf %get3A_638, %max3A_654 : vector<16xf32>
    %exp3A_664 = math.exp %sub3A_663 : vector<16xf32>
    %sub3A_665 = arith.subf %get3A_641, %max3A_654 : vector<16xf32>
    %exp3A_666 = math.exp %sub3A_665 : vector<16xf32>
    %sub3A_667 = arith.subf %get3A_644, %max3A_654 : vector<16xf32>
    %exp3A_668 = math.exp %sub3A_667 : vector<16xf32>
    %sub3A_669 = arith.subf %get3A_647, %max3A_654 : vector<16xf32>
    %exp3A_670 = math.exp %sub3A_669 : vector<16xf32>
    %add3A_671 = arith.addf %exp3A_656, %exp3A_658 : vector<16xf32>
    %add3A_672 = arith.addf %add3A_671, %exp3A_660 : vector<16xf32>
    %add3A_673 = arith.addf %add3A_672, %exp3A_662 : vector<16xf32>
    %add3A_674 = arith.addf %add3A_673, %exp3A_664 : vector<16xf32>
    %add3A_675 = arith.addf %add3A_674, %exp3A_666 : vector<16xf32>
    %add3A_676 = arith.addf %add3A_675, %exp3A_668 : vector<16xf32>
    %add3A_677 = arith.addf %add3A_676, %exp3A_670 : vector<16xf32>
    %div3A_678 = arith.divf %exp3A_656, %add3A_677 : vector<16xf32>
    %div3A_679 = arith.divf %exp3A_658, %add3A_677 : vector<16xf32>
    %div3A_680 = arith.divf %exp3A_660, %add3A_677 : vector<16xf32>
    %div3A_681 = arith.divf %exp3A_662, %add3A_677 : vector<16xf32>
    %div3A_682 = arith.divf %exp3A_664, %add3A_677 : vector<16xf32>
    %div3A_683 = arith.divf %exp3A_666, %add3A_677 : vector<16xf32>
    %div3A_684 = arith.divf %exp3A_668, %add3A_677 : vector<16xf32>
    %div3A_685 = arith.divf %exp3A_670, %add3A_677 : vector<16xf32>
    %max3A_686 = arith.maximumf %div3A_678, %div3A_679 : vector<16xf32>
    %max3A_687 = arith.maximumf %max3A_686, %div3A_680 : vector<16xf32>
    %max3A_688 = arith.maximumf %max3A_687, %div3A_681 : vector<16xf32>
    %max3A_689 = arith.maximumf %max3A_688, %div3A_682 : vector<16xf32>
    %max3A_690 = arith.maximumf %max3A_689, %div3A_683 : vector<16xf32>
    %max3A_691 = arith.maximumf %max3A_690, %div3A_684 : vector<16xf32>
    %max3A_692 = arith.maximumf %max3A_691, %div3A_685 : vector<16xf32>
    %broadcast_in_dim3A_693 = arith.constant 7 : i32
    %broadcast_in_dim3A_694 = vector.broadcast %broadcast_in_dim3A_693 : i32 to vector<16xi32>
    %eq3A_695 = arith.cmpf oeq, %div3A_685, %max3A_692 : vector<16xf32>
    %broadcast_in_dim3A_696 = arith.constant 7 : i32
    %broadcast_in_dim3A_697 = vector.broadcast %broadcast_in_dim3A_696 : i32 to vector<16xi32>
    %select_n3A_698 = arith.select %eq3A_695, %broadcast_in_dim3A_697, %broadcast_in_dim3A_694 : vector<16xi1>, vector<16xi32>
    %eq3A_699 = arith.cmpf oeq, %div3A_684, %max3A_692 : vector<16xf32>
    %broadcast_in_dim3A_700 = arith.constant 6 : i32
    %broadcast_in_dim3A_701 = vector.broadcast %broadcast_in_dim3A_700 : i32 to vector<16xi32>
    %select_n3A_702 = arith.select %eq3A_699, %broadcast_in_dim3A_701, %select_n3A_698 : vector<16xi1>, vector<16xi32>
    %eq3A_703 = arith.cmpf oeq, %div3A_683, %max3A_692 : vector<16xf32>
    %broadcast_in_dim3A_704 = arith.constant 5 : i32
    %broadcast_in_dim3A_705 = vector.broadcast %broadcast_in_dim3A_704 : i32 to vector<16xi32>
    %select_n3A_706 = arith.select %eq3A_703, %broadcast_in_dim3A_705, %select_n3A_702 : vector<16xi1>, vector<16xi32>
    %eq3A_707 = arith.cmpf oeq, %div3A_682, %max3A_692 : vector<16xf32>
    %broadcast_in_dim3A_708 = arith.constant 4 : i32
    %broadcast_in_dim3A_709 = vector.broadcast %broadcast_in_dim3A_708 : i32 to vector<16xi32>
    %select_n3A_710 = arith.select %eq3A_707, %broadcast_in_dim3A_709, %select_n3A_706 : vector<16xi1>, vector<16xi32>
    %eq3A_711 = arith.cmpf oeq, %div3A_681, %max3A_692 : vector<16xf32>
    %broadcast_in_dim3A_712 = arith.constant 3 : i32
    %broadcast_in_dim3A_713 = vector.broadcast %broadcast_in_dim3A_712 : i32 to vector<16xi32>
    %select_n3A_714 = arith.select %eq3A_711, %broadcast_in_dim3A_713, %select_n3A_710 : vector<16xi1>, vector<16xi32>
    %eq3A_715 = arith.cmpf oeq, %div3A_680, %max3A_692 : vector<16xf32>
    %broadcast_in_dim3A_716 = arith.constant 2 : i32
    %broadcast_in_dim3A_717 = vector.broadcast %broadcast_in_dim3A_716 : i32 to vector<16xi32>
    %select_n3A_718 = arith.select %eq3A_715, %broadcast_in_dim3A_717, %select_n3A_714 : vector<16xi1>, vector<16xi32>
    %eq3A_719 = arith.cmpf oeq, %div3A_679, %max3A_692 : vector<16xf32>
    %broadcast_in_dim3A_720 = arith.constant 1 : i32
    %broadcast_in_dim3A_721 = vector.broadcast %broadcast_in_dim3A_720 : i32 to vector<16xi32>
    %select_n3A_722 = arith.select %eq3A_719, %broadcast_in_dim3A_721, %select_n3A_718 : vector<16xi1>, vector<16xi32>
    %eq3A_723 = arith.cmpf oeq, %div3A_678, %max3A_692 : vector<16xf32>
    %broadcast_in_dim3A_724 = arith.constant 0 : i32
    %broadcast_in_dim3A_725 = vector.broadcast %broadcast_in_dim3A_724 : i32 to vector<16xi32>
    %select_n3A_726 = arith.select %eq3A_723, %broadcast_in_dim3A_725, %select_n3A_722 : vector<16xi1>, vector<16xi32>
    %eq3A_727 = arith.constant 0 : i32
    %eq3A_728 = vector.broadcast %eq3A_727 : i32 to vector<16xi32>
    %eq3A_729 = arith.cmpi eq, %select_n3A_726, %eq3A_728 : vector<16xi32>
    %broadcast_in_dim3A_730 = arith.constant -1.000000e+00 : f32
    %broadcast_in_dim3A_731 = vector.broadcast %broadcast_in_dim3A_730 : f32 to vector<16xf32>
    %select_n3A_732 = arith.select %eq3A_729, %broadcast_in_dim3A_731, %div3A_678 : vector<16xi1>, vector<16xf32>
    %eq3A_733 = arith.constant 1 : i32
    %eq3A_734 = vector.broadcast %eq3A_733 : i32 to vector<16xi32>
    %eq3A_735 = arith.cmpi eq, %select_n3A_726, %eq3A_734 : vector<16xi32>
    %broadcast_in_dim3A_736 = arith.constant -1.000000e+00 : f32
    %broadcast_in_dim3A_737 = vector.broadcast %broadcast_in_dim3A_736 : f32 to vector<16xf32>
    %select_n3A_738 = arith.select %eq3A_735, %broadcast_in_dim3A_737, %div3A_679 : vector<16xi1>, vector<16xf32>
    %eq3A_739 = arith.constant 2 : i32
    %eq3A_740 = vector.broadcast %eq3A_739 : i32 to vector<16xi32>
    %eq3A_741 = arith.cmpi eq, %select_n3A_726, %eq3A_740 : vector<16xi32>
    %broadcast_in_dim3A_742 = arith.constant -1.000000e+00 : f32
    %broadcast_in_dim3A_743 = vector.broadcast %broadcast_in_dim3A_742 : f32 to vector<16xf32>
    %select_n3A_744 = arith.select %eq3A_741, %broadcast_in_dim3A_743, %div3A_680 : vector<16xi1>, vector<16xf32>
    %eq3A_745 = arith.constant 3 : i32
    %eq3A_746 = vector.broadcast %eq3A_745 : i32 to vector<16xi32>
    %eq3A_747 = arith.cmpi eq, %select_n3A_726, %eq3A_746 : vector<16xi32>
    %broadcast_in_dim3A_748 = arith.constant -1.000000e+00 : f32
    %broadcast_in_dim3A_749 = vector.broadcast %broadcast_in_dim3A_748 : f32 to vector<16xf32>
    %select_n3A_750 = arith.select %eq3A_747, %broadcast_in_dim3A_749, %div3A_681 : vector<16xi1>, vector<16xf32>
    %eq3A_751 = arith.constant 4 : i32
    %eq3A_752 = vector.broadcast %eq3A_751 : i32 to vector<16xi32>
    %eq3A_753 = arith.cmpi eq, %select_n3A_726, %eq3A_752 : vector<16xi32>
    %broadcast_in_dim3A_754 = arith.constant -1.000000e+00 : f32
    %broadcast_in_dim3A_755 = vector.broadcast %broadcast_in_dim3A_754 : f32 to vector<16xf32>
    %select_n3A_756 = arith.select %eq3A_753, %broadcast_in_dim3A_755, %div3A_682 : vector<16xi1>, vector<16xf32>
    %eq3A_757 = arith.constant 5 : i32
    %eq3A_758 = vector.broadcast %eq3A_757 : i32 to vector<16xi32>
    %eq3A_759 = arith.cmpi eq, %select_n3A_726, %eq3A_758 : vector<16xi32>
    %broadcast_in_dim3A_760 = arith.constant -1.000000e+00 : f32
    %broadcast_in_dim3A_761 = vector.broadcast %broadcast_in_dim3A_760 : f32 to vector<16xf32>
    %select_n3A_762 = arith.select %eq3A_759, %broadcast_in_dim3A_761, %div3A_683 : vector<16xi1>, vector<16xf32>
    %eq3A_763 = arith.constant 6 : i32
    %eq3A_764 = vector.broadcast %eq3A_763 : i32 to vector<16xi32>
    %eq3A_765 = arith.cmpi eq, %select_n3A_726, %eq3A_764 : vector<16xi32>
    %broadcast_in_dim3A_766 = arith.constant -1.000000e+00 : f32
    %broadcast_in_dim3A_767 = vector.broadcast %broadcast_in_dim3A_766 : f32 to vector<16xf32>
    %select_n3A_768 = arith.select %eq3A_765, %broadcast_in_dim3A_767, %div3A_684 : vector<16xi1>, vector<16xf32>
    %eq3A_769 = arith.constant 7 : i32
    %eq3A_770 = vector.broadcast %eq3A_769 : i32 to vector<16xi32>
    %eq3A_771 = arith.cmpi eq, %select_n3A_726, %eq3A_770 : vector<16xi32>
    %broadcast_in_dim3A_772 = arith.constant -1.000000e+00 : f32
    %broadcast_in_dim3A_773 = vector.broadcast %broadcast_in_dim3A_772 : f32 to vector<16xf32>
    %select_n3A_774 = arith.select %eq3A_771, %broadcast_in_dim3A_773, %div3A_685 : vector<16xi1>, vector<16xf32>
    %max3A_775 = arith.maximumf %select_n3A_732, %select_n3A_738 : vector<16xf32>
    %max3A_776 = arith.maximumf %max3A_775, %select_n3A_744 : vector<16xf32>
    %max3A_777 = arith.maximumf %max3A_776, %select_n3A_750 : vector<16xf32>
    %max3A_778 = arith.maximumf %max3A_777, %select_n3A_756 : vector<16xf32>
    %max3A_779 = arith.maximumf %max3A_778, %select_n3A_762 : vector<16xf32>
    %max3A_780 = arith.maximumf %max3A_779, %select_n3A_768 : vector<16xf32>
    %max3A_781 = arith.maximumf %max3A_780, %select_n3A_774 : vector<16xf32>
    %broadcast_in_dim3A_782 = arith.constant 7 : i32
    %broadcast_in_dim3A_783 = vector.broadcast %broadcast_in_dim3A_782 : i32 to vector<16xi32>
    %eq3A_784 = arith.cmpf oeq, %select_n3A_774, %max3A_781 : vector<16xf32>
    %broadcast_in_dim3A_785 = arith.constant 7 : i32
    %broadcast_in_dim3A_786 = vector.broadcast %broadcast_in_dim3A_785 : i32 to vector<16xi32>
    %select_n3A_787 = arith.select %eq3A_784, %broadcast_in_dim3A_786, %broadcast_in_dim3A_783 : vector<16xi1>, vector<16xi32>
    %eq3A_788 = arith.cmpf oeq, %select_n3A_768, %max3A_781 : vector<16xf32>
    %broadcast_in_dim3A_789 = arith.constant 6 : i32
    %broadcast_in_dim3A_790 = vector.broadcast %broadcast_in_dim3A_789 : i32 to vector<16xi32>
    %select_n3A_791 = arith.select %eq3A_788, %broadcast_in_dim3A_790, %select_n3A_787 : vector<16xi1>, vector<16xi32>
    %eq3A_792 = arith.cmpf oeq, %select_n3A_762, %max3A_781 : vector<16xf32>
    %broadcast_in_dim3A_793 = arith.constant 5 : i32
    %broadcast_in_dim3A_794 = vector.broadcast %broadcast_in_dim3A_793 : i32 to vector<16xi32>
    %select_n3A_795 = arith.select %eq3A_792, %broadcast_in_dim3A_794, %select_n3A_791 : vector<16xi1>, vector<16xi32>
    %eq3A_796 = arith.cmpf oeq, %select_n3A_756, %max3A_781 : vector<16xf32>
    %broadcast_in_dim3A_797 = arith.constant 4 : i32
    %broadcast_in_dim3A_798 = vector.broadcast %broadcast_in_dim3A_797 : i32 to vector<16xi32>
    %select_n3A_799 = arith.select %eq3A_796, %broadcast_in_dim3A_798, %select_n3A_795 : vector<16xi1>, vector<16xi32>
    %eq3A_800 = arith.cmpf oeq, %select_n3A_750, %max3A_781 : vector<16xf32>
    %broadcast_in_dim3A_801 = arith.constant 3 : i32
    %broadcast_in_dim3A_802 = vector.broadcast %broadcast_in_dim3A_801 : i32 to vector<16xi32>
    %select_n3A_803 = arith.select %eq3A_800, %broadcast_in_dim3A_802, %select_n3A_799 : vector<16xi1>, vector<16xi32>
    %eq3A_804 = arith.cmpf oeq, %select_n3A_744, %max3A_781 : vector<16xf32>
    %broadcast_in_dim3A_805 = arith.constant 2 : i32
    %broadcast_in_dim3A_806 = vector.broadcast %broadcast_in_dim3A_805 : i32 to vector<16xi32>
    %select_n3A_807 = arith.select %eq3A_804, %broadcast_in_dim3A_806, %select_n3A_803 : vector<16xi1>, vector<16xi32>
    %eq3A_808 = arith.cmpf oeq, %select_n3A_738, %max3A_781 : vector<16xf32>
    %broadcast_in_dim3A_809 = arith.constant 1 : i32
    %broadcast_in_dim3A_810 = vector.broadcast %broadcast_in_dim3A_809 : i32 to vector<16xi32>
    %select_n3A_811 = arith.select %eq3A_808, %broadcast_in_dim3A_810, %select_n3A_807 : vector<16xi1>, vector<16xi32>
    %eq3A_812 = arith.cmpf oeq, %select_n3A_732, %max3A_781 : vector<16xf32>
    %broadcast_in_dim3A_813 = arith.constant 0 : i32
    %broadcast_in_dim3A_814 = vector.broadcast %broadcast_in_dim3A_813 : i32 to vector<16xi32>
    %select_n3A_815 = arith.select %eq3A_812, %broadcast_in_dim3A_814, %select_n3A_811 : vector<16xi1>, vector<16xi32>
    %add3A_816 = arith.addf %max3A_692, %max3A_781 : vector<16xf32>
    %broadcast_in_dim3A_817 = arith.constant 0.000000e+00 : f32
    %broadcast_in_dim3A_818 = vector.broadcast %broadcast_in_dim3A_817 : f32 to vector<16xf32>
    %eq3A_819 = arith.constant 0 : i32
    %eq3A_820 = vector.broadcast %eq3A_819 : i32 to vector<16xi32>
    %eq3A_821 = arith.cmpi eq, %select_n3A_726, %eq3A_820 : vector<16xi32>
    %select_n3A_822 = arith.select %eq3A_821, %max3A_692, %broadcast_in_dim3A_818 : vector<16xi1>, vector<16xf32>
    %eq3A_823 = arith.constant 0 : i32
    %eq3A_824 = vector.broadcast %eq3A_823 : i32 to vector<16xi32>
    %eq3A_825 = arith.cmpi eq, %select_n3A_815, %eq3A_824 : vector<16xi32>
    %select_n3A_826 = arith.select %eq3A_825, %max3A_781, %broadcast_in_dim3A_818 : vector<16xi1>, vector<16xf32>
    %add3A_827 = arith.addf %select_n3A_822, %select_n3A_826 : vector<16xf32>
    %div3A_828 = arith.divf %add3A_827, %add3A_816 : vector<16xf32>
    %swap3A_829 = arith.constant 32 : index
    %swap3A_830 = tpu.vector_load %arg5[%swap3A_829] {strides = array<i32>} : memref<512xf32, #tpu.memory_space<vmem>>, vector<16xf32>,
    %swap3A_831 = vector.shape_cast %swap3A_830 : vector<16xf32> to vector<16xf32>
    %swap3A_832 = vector.shape_cast %div3A_828 : vector<16xf32> to vector<16xf32>
    tpu.vector_store %arg5[%swap3A_829], %swap3A_832 {strides = array<i32>} : memref<512xf32, #tpu.memory_space<vmem>>, vector<16xf32>,
    %eq3A_833 = arith.constant 1 : i32
    %eq3A_834 = vector.broadcast %eq3A_833 : i32 to vector<16xi32>
    %eq3A_835 = arith.cmpi eq, %select_n3A_726, %eq3A_834 : vector<16xi32>
    %select_n3A_836 = arith.select %eq3A_835, %max3A_692, %broadcast_in_dim3A_818 : vector<16xi1>, vector<16xf32>
    %eq3A_837 = arith.constant 1 : i32
    %eq3A_838 = vector.broadcast %eq3A_837 : i32 to vector<16xi32>
    %eq3A_839 = arith.cmpi eq, %select_n3A_815, %eq3A_838 : vector<16xi32>
    %select_n3A_840 = arith.select %eq3A_839, %max3A_781, %broadcast_in_dim3A_818 : vector<16xi1>, vector<16xf32>
    %add3A_841 = arith.addf %select_n3A_836, %select_n3A_840 : vector<16xf32>
    %div3A_842 = arith.divf %add3A_841, %add3A_816 : vector<16xf32>
    %swap3A_843 = arith.constant 96 : index
    %swap3A_844 = tpu.vector_load %arg5[%swap3A_843] {strides = array<i32>} : memref<512xf32, #tpu.memory_space<vmem>>, vector<16xf32>,
    %swap3A_845 = vector.shape_cast %swap3A_844 : vector<16xf32> to vector<16xf32>
    %swap3A_846 = vector.shape_cast %div3A_842 : vector<16xf32> to vector<16xf32>
    tpu.vector_store %arg5[%swap3A_843], %swap3A_846 {strides = array<i32>} : memref<512xf32, #tpu.memory_space<vmem>>, vector<16xf32>,
    %eq3A_847 = arith.constant 2 : i32
    %eq3A_848 = vector.broadcast %eq3A_847 : i32 to vector<16xi32>
    %eq3A_849 = arith.cmpi eq, %select_n3A_726, %eq3A_848 : vector<16xi32>
    %select_n3A_850 = arith.select %eq3A_849, %max3A_692, %broadcast_in_dim3A_818 : vector<16xi1>, vector<16xf32>
    %eq3A_851 = arith.constant 2 : i32
    %eq3A_852 = vector.broadcast %eq3A_851 : i32 to vector<16xi32>
    %eq3A_853 = arith.cmpi eq, %select_n3A_815, %eq3A_852 : vector<16xi32>
    %select_n3A_854 = arith.select %eq3A_853, %max3A_781, %broadcast_in_dim3A_818 : vector<16xi1>, vector<16xf32>
    %add3A_855 = arith.addf %select_n3A_850, %select_n3A_854 : vector<16xf32>
    %div3A_856 = arith.divf %add3A_855, %add3A_816 : vector<16xf32>
    %swap3A_857 = arith.constant 160 : index
    %swap3A_858 = tpu.vector_load %arg5[%swap3A_857] {strides = array<i32>} : memref<512xf32, #tpu.memory_space<vmem>>, vector<16xf32>,
    %swap3A_859 = vector.shape_cast %swap3A_858 : vector<16xf32> to vector<16xf32>
    %swap3A_860 = vector.shape_cast %div3A_856 : vector<16xf32> to vector<16xf32>
    tpu.vector_store %arg5[%swap3A_857], %swap3A_860 {strides = array<i32>} : memref<512xf32, #tpu.memory_space<vmem>>, vector<16xf32>,
    %eq3A_861 = arith.constant 3 : i32
    %eq3A_862 = vector.broadcast %eq3A_861 : i32 to vector<16xi32>
    %eq3A_863 = arith.cmpi eq, %select_n3A_726, %eq3A_862 : vector<16xi32>
    %select_n3A_864 = arith.select %eq3A_863, %max3A_692, %broadcast_in_dim3A_818 : vector<16xi1>, vector<16xf32>
    %eq3A_865 = arith.constant 3 : i32
    %eq3A_866 = vector.broadcast %eq3A_865 : i32 to vector<16xi32>
    %eq3A_867 = arith.cmpi eq, %select_n3A_815, %eq3A_866 : vector<16xi32>
    %select_n3A_868 = arith.select %eq3A_867, %max3A_781, %broadcast_in_dim3A_818 : vector<16xi1>, vector<16xf32>
    %add3A_869 = arith.addf %select_n3A_864, %select_n3A_868 : vector<16xf32>
    %div3A_870 = arith.divf %add3A_869, %add3A_816 : vector<16xf32>
    %swap3A_871 = arith.constant 224 : index
    %swap3A_872 = tpu.vector_load %arg5[%swap3A_871] {strides = array<i32>} : memref<512xf32, #tpu.memory_space<vmem>>, vector<16xf32>,
    %swap3A_873 = vector.shape_cast %swap3A_872 : vector<16xf32> to vector<16xf32>
    %swap3A_874 = vector.shape_cast %div3A_870 : vector<16xf32> to vector<16xf32>
    tpu.vector_store %arg5[%swap3A_871], %swap3A_874 {strides = array<i32>} : memref<512xf32, #tpu.memory_space<vmem>>, vector<16xf32>,
    %eq3A_875 = arith.constant 4 : i32
    %eq3A_876 = vector.broadcast %eq3A_875 : i32 to vector<16xi32>
    %eq3A_877 = arith.cmpi eq, %select_n3A_726, %eq3A_876 : vector<16xi32>
    %select_n3A_878 = arith.select %eq3A_877, %max3A_692, %broadcast_in_dim3A_818 : vector<16xi1>, vector<16xf32>
    %eq3A_879 = arith.constant 4 : i32
    %eq3A_880 = vector.broadcast %eq3A_879 : i32 to vector<16xi32>
    %eq3A_881 = arith.cmpi eq, %select_n3A_815, %eq3A_880 : vector<16xi32>
    %select_n3A_882 = arith.select %eq3A_881, %max3A_781, %broadcast_in_dim3A_818 : vector<16xi1>, vector<16xf32>
    %add3A_883 = arith.addf %select_n3A_878, %select_n3A_882 : vector<16xf32>
    %div3A_884 = arith.divf %add3A_883, %add3A_816 : vector<16xf32>
    %swap3A_885 = arith.constant 288 : index
    %swap3A_886 = tpu.vector_load %arg5[%swap3A_885] {strides = array<i32>} : memref<512xf32, #tpu.memory_space<vmem>>, vector<16xf32>,
    %swap3A_887 = vector.shape_cast %swap3A_886 : vector<16xf32> to vector<16xf32>
    %swap3A_888 = vector.shape_cast %div3A_884 : vector<16xf32> to vector<16xf32>
    tpu.vector_store %arg5[%swap3A_885], %swap3A_888 {strides = array<i32>} : memref<512xf32, #tpu.memory_space<vmem>>, vector<16xf32>,
    %eq3A_889 = arith.constant 5 : i32
    %eq3A_890 = vector.broadcast %eq3A_889 : i32 to vector<16xi32>
    %eq3A_891 = arith.cmpi eq, %select_n3A_726, %eq3A_890 : vector<16xi32>
    %select_n3A_892 = arith.select %eq3A_891, %max3A_692, %broadcast_in_dim3A_818 : vector<16xi1>, vector<16xf32>
    %eq3A_893 = arith.constant 5 : i32
    %eq3A_894 = vector.broadcast %eq3A_893 : i32 to vector<16xi32>
    %eq3A_895 = arith.cmpi eq, %select_n3A_815, %eq3A_894 : vector<16xi32>
    %select_n3A_896 = arith.select %eq3A_895, %max3A_781, %broadcast_in_dim3A_818 : vector<16xi1>, vector<16xf32>
    %add3A_897 = arith.addf %select_n3A_892, %select_n3A_896 : vector<16xf32>
    %div3A_898 = arith.divf %add3A_897, %add3A_816 : vector<16xf32>
    %swap3A_899 = arith.constant 352 : index
    %swap3A_900 = tpu.vector_load %arg5[%swap3A_899] {strides = array<i32>} : memref<512xf32, #tpu.memory_space<vmem>>, vector<16xf32>,
    %swap3A_901 = vector.shape_cast %swap3A_900 : vector<16xf32> to vector<16xf32>
    %swap3A_902 = vector.shape_cast %div3A_898 : vector<16xf32> to vector<16xf32>
    tpu.vector_store %arg5[%swap3A_899], %swap3A_902 {strides = array<i32>} : memref<512xf32, #tpu.memory_space<vmem>>, vector<16xf32>,
    %eq3A_903 = arith.constant 6 : i32
    %eq3A_904 = vector.broadcast %eq3A_903 : i32 to vector<16xi32>
    %eq3A_905 = arith.cmpi eq, %select_n3A_726, %eq3A_904 : vector<16xi32>
    %select_n3A_906 = arith.select %eq3A_905, %max3A_692, %broadcast_in_dim3A_818 : vector<16xi1>, vector<16xf32>
    %eq3A_907 = arith.constant 6 : i32
    %eq3A_908 = vector.broadcast %eq3A_907 : i32 to vector<16xi32>
    %eq3A_909 = arith.cmpi eq, %select_n3A_815, %eq3A_908 : vector<16xi32>
    %select_n3A_910 = arith.select %eq3A_909, %max3A_781, %broadcast_in_dim3A_818 : vector<16xi1>, vector<16xf32>
    %add3A_911 = arith.addf %select_n3A_906, %select_n3A_910 : vector<16xf32>
    %div3A_912 = arith.divf %add3A_911, %add3A_816 : vector<16xf32>
    %swap3A_913 = arith.constant 416 : index
    %swap3A_914 = tpu.vector_load %arg5[%swap3A_913] {strides = array<i32>} : memref<512xf32, #tpu.memory_space<vmem>>, vector<16xf32>,
    %swap3A_915 = vector.shape_cast %swap3A_914 : vector<16xf32> to vector<16xf32>
    %swap3A_916 = vector.shape_cast %div3A_912 : vector<16xf32> to vector<16xf32>
    tpu.vector_store %arg5[%swap3A_913], %swap3A_916 {strides = array<i32>} : memref<512xf32, #tpu.memory_space<vmem>>, vector<16xf32>,
    %eq3A_917 = arith.constant 7 : i32
    %eq3A_918 = vector.broadcast %eq3A_917 : i32 to vector<16xi32>
    %eq3A_919 = arith.cmpi eq, %select_n3A_726, %eq3A_918 : vector<16xi32>
    %select_n3A_920 = arith.select %eq3A_919, %max3A_692, %broadcast_in_dim3A_818 : vector<16xi1>, vector<16xf32>
    %eq3A_921 = arith.constant 7 : i32
    %eq3A_922 = vector.broadcast %eq3A_921 : i32 to vector<16xi32>
    %eq3A_923 = arith.cmpi eq, %select_n3A_815, %eq3A_922 : vector<16xi32>
    %select_n3A_924 = arith.select %eq3A_923, %max3A_781, %broadcast_in_dim3A_818 : vector<16xi1>, vector<16xf32>
    %add3A_925 = arith.addf %select_n3A_920, %select_n3A_924 : vector<16xf32>
    %div3A_926 = arith.divf %add3A_925, %add3A_816 : vector<16xf32>
    %swap3A_927 = arith.constant 480 : index
    %swap3A_928 = tpu.vector_load %arg5[%swap3A_927] {strides = array<i32>} : memref<512xf32, #tpu.memory_space<vmem>>, vector<16xf32>,
    %swap3A_929 = vector.shape_cast %swap3A_928 : vector<16xf32> to vector<16xf32>
    %swap3A_930 = vector.shape_cast %div3A_926 : vector<16xf32> to vector<16xf32>
    tpu.vector_store %arg5[%swap3A_927], %swap3A_930 {strides = array<i32>} : memref<512xf32, #tpu.memory_space<vmem>>, vector<16xf32>,
    %get3A_931 = arith.constant 48 : index
    %get3A_932 = tpu.vector_load %arg4[%get3A_931] {strides = array<i32>} : memref<512xf32, #tpu.memory_space<vmem>>, vector<16xf32>,
    %get3A_933 = vector.shape_cast %get3A_932 : vector<16xf32> to vector<16xf32>
    %get3A_934 = arith.constant 112 : index
    %get3A_935 = tpu.vector_load %arg4[%get3A_934] {strides = array<i32>} : memref<512xf32, #tpu.memory_space<vmem>>, vector<16xf32>,
    %get3A_936 = vector.shape_cast %get3A_935 : vector<16xf32> to vector<16xf32>
    %get3A_937 = arith.constant 176 : index
    %get3A_938 = tpu.vector_load %arg4[%get3A_937] {strides = array<i32>} : memref<512xf32, #tpu.memory_space<vmem>>, vector<16xf32>,
    %get3A_939 = vector.shape_cast %get3A_938 : vector<16xf32> to vector<16xf32>
    %get3A_940 = arith.constant 240 : index
    %get3A_941 = tpu.vector_load %arg4[%get3A_940] {strides = array<i32>} : memref<512xf32, #tpu.memory_space<vmem>>, vector<16xf32>,
    %get3A_942 = vector.shape_cast %get3A_941 : vector<16xf32> to vector<16xf32>
    %get3A_943 = arith.constant 304 : index
    %get3A_944 = tpu.vector_load %arg4[%get3A_943] {strides = array<i32>} : memref<512xf32, #tpu.memory_space<vmem>>, vector<16xf32>,
    %get3A_945 = vector.shape_cast %get3A_944 : vector<16xf32> to vector<16xf32>
    %get3A_946 = arith.constant 368 : index
    %get3A_947 = tpu.vector_load %arg4[%get3A_946] {strides = array<i32>} : memref<512xf32, #tpu.memory_space<vmem>>, vector<16xf32>,
    %get3A_948 = vector.shape_cast %get3A_947 : vector<16xf32> to vector<16xf32>
    %get3A_949 = arith.constant 432 : index
    %get3A_950 = tpu.vector_load %arg4[%get3A_949] {strides = array<i32>} : memref<512xf32, #tpu.memory_space<vmem>>, vector<16xf32>,
    %get3A_951 = vector.shape_cast %get3A_950 : vector<16xf32> to vector<16xf32>
    %get3A_952 = arith.constant 496 : index
    %get3A_953 = tpu.vector_load %arg4[%get3A_952] {strides = array<i32>} : memref<512xf32, #tpu.memory_space<vmem>>, vector<16xf32>,
    %get3A_954 = vector.shape_cast %get3A_953 : vector<16xf32> to vector<16xf32>
    %max3A_955 = arith.maximumf %get3A_933, %get3A_936 : vector<16xf32>
    %max3A_956 = arith.maximumf %max3A_955, %get3A_939 : vector<16xf32>
    %max3A_957 = arith.maximumf %max3A_956, %get3A_942 : vector<16xf32>
    %max3A_958 = arith.maximumf %max3A_957, %get3A_945 : vector<16xf32>
    %max3A_959 = arith.maximumf %max3A_958, %get3A_948 : vector<16xf32>
    %max3A_960 = arith.maximumf %max3A_959, %get3A_951 : vector<16xf32>
    %max3A_961 = arith.maximumf %max3A_960, %get3A_954 : vector<16xf32>
    %sub3A_962 = arith.subf %get3A_933, %max3A_961 : vector<16xf32>
    %exp3A_963 = math.exp %sub3A_962 : vector<16xf32>
    %sub3A_964 = arith.subf %get3A_936, %max3A_961 : vector<16xf32>
    %exp3A_965 = math.exp %sub3A_964 : vector<16xf32>
    %sub3A_966 = arith.subf %get3A_939, %max3A_961 : vector<16xf32>
    %exp3A_967 = math.exp %sub3A_966 : vector<16xf32>
    %sub3A_968 = arith.subf %get3A_942, %max3A_961 : vector<16xf32>
    %exp3A_969 = math.exp %sub3A_968 : vector<16xf32>
    %sub3A_970 = arith.subf %get3A_945, %max3A_961 : vector<16xf32>
    %exp3A_971 = math.exp %sub3A_970 : vector<16xf32>
    %sub3A_972 = arith.subf %get3A_948, %max3A_961 : vector<16xf32>
    %exp3A_973 = math.exp %sub3A_972 : vector<16xf32>
    %sub3A_974 = arith.subf %get3A_951, %max3A_961 : vector<16xf32>
    %exp3A_975 = math.exp %sub3A_974 : vector<16xf32>
    %sub3A_976 = arith.subf %get3A_954, %max3A_961 : vector<16xf32>
    %exp3A_977 = math.exp %sub3A_976 : vector<16xf32>
    %add3A_978 = arith.addf %exp3A_963, %exp3A_965 : vector<16xf32>
    %add3A_979 = arith.addf %add3A_978, %exp3A_967 : vector<16xf32>
    %add3A_980 = arith.addf %add3A_979, %exp3A_969 : vector<16xf32>
    %add3A_981 = arith.addf %add3A_980, %exp3A_971 : vector<16xf32>
    %add3A_982 = arith.addf %add3A_981, %exp3A_973 : vector<16xf32>
    %add3A_983 = arith.addf %add3A_982, %exp3A_975 : vector<16xf32>
    %add3A_984 = arith.addf %add3A_983, %exp3A_977 : vector<16xf32>
    %div3A_985 = arith.divf %exp3A_963, %add3A_984 : vector<16xf32>
    %div3A_986 = arith.divf %exp3A_965, %add3A_984 : vector<16xf32>
    %div3A_987 = arith.divf %exp3A_967, %add3A_984 : vector<16xf32>
    %div3A_988 = arith.divf %exp3A_969, %add3A_984 : vector<16xf32>
    %div3A_989 = arith.divf %exp3A_971, %add3A_984 : vector<16xf32>
    %div3A_990 = arith.divf %exp3A_973, %add3A_984 : vector<16xf32>
    %div3A_991 = arith.divf %exp3A_975, %add3A_984 : vector<16xf32>
    %div3A_992 = arith.divf %exp3A_977, %add3A_984 : vector<16xf32>
    %max3A_993 = arith.maximumf %div3A_985, %div3A_986 : vector<16xf32>
    %max3A_994 = arith.maximumf %max3A_993, %div3A_987 : vector<16xf32>
    %max3A_995 = arith.maximumf %max3A_994, %div3A_988 : vector<16xf32>
    %max3A_996 = arith.maximumf %max3A_995, %div3A_989 : vector<16xf32>
    %max3A_997 = arith.maximumf %max3A_996, %div3A_990 : vector<16xf32>
    %max3A_998 = arith.maximumf %max3A_997, %div3A_991 : vector<16xf32>
    %max3A_999 = arith.maximumf %max3A_998, %div3A_992 : vector<16xf32>
    %broadcast_in_dim3A_1000 = arith.constant 7 : i32
    %broadcast_in_dim3A_1001 = vector.broadcast %broadcast_in_dim3A_1000 : i32 to vector<16xi32>
    %eq3A_1002 = arith.cmpf oeq, %div3A_992, %max3A_999 : vector<16xf32>
    %broadcast_in_dim3A_1003 = arith.constant 7 : i32
    %broadcast_in_dim3A_1004 = vector.broadcast %broadcast_in_dim3A_1003 : i32 to vector<16xi32>
    %select_n3A_1005 = arith.select %eq3A_1002, %broadcast_in_dim3A_1004, %broadcast_in_dim3A_1001 : vector<16xi1>, vector<16xi32>
    %eq3A_1006 = arith.cmpf oeq, %div3A_991, %max3A_999 : vector<16xf32>
    %broadcast_in_dim3A_1007 = arith.constant 6 : i32
    %broadcast_in_dim3A_1008 = vector.broadcast %broadcast_in_dim3A_1007 : i32 to vector<16xi32>
    %select_n3A_1009 = arith.select %eq3A_1006, %broadcast_in_dim3A_1008, %select_n3A_1005 : vector<16xi1>, vector<16xi32>
    %eq3A_1010 = arith.cmpf oeq, %div3A_990, %max3A_999 : vector<16xf32>
    %broadcast_in_dim3A_1011 = arith.constant 5 : i32
    %broadcast_in_dim3A_1012 = vector.broadcast %broadcast_in_dim3A_1011 : i32 to vector<16xi32>
    %select_n3A_1013 = arith.select %eq3A_1010, %broadcast_in_dim3A_1012, %select_n3A_1009 : vector<16xi1>, vector<16xi32>
    %eq3A_1014 = arith.cmpf oeq, %div3A_989, %max3A_999 : vector<16xf32>
    %broadcast_in_dim3A_1015 = arith.constant 4 : i32
    %broadcast_in_dim3A_1016 = vector.broadcast %broadcast_in_dim3A_1015 : i32 to vector<16xi32>
    %select_n3A_1017 = arith.select %eq3A_1014, %broadcast_in_dim3A_1016, %select_n3A_1013 : vector<16xi1>, vector<16xi32>
    %eq3A_1018 = arith.cmpf oeq, %div3A_988, %max3A_999 : vector<16xf32>
    %broadcast_in_dim3A_1019 = arith.constant 3 : i32
    %broadcast_in_dim3A_1020 = vector.broadcast %broadcast_in_dim3A_1019 : i32 to vector<16xi32>
    %select_n3A_1021 = arith.select %eq3A_1018, %broadcast_in_dim3A_1020, %select_n3A_1017 : vector<16xi1>, vector<16xi32>
    %eq3A_1022 = arith.cmpf oeq, %div3A_987, %max3A_999 : vector<16xf32>
    %broadcast_in_dim3A_1023 = arith.constant 2 : i32
    %broadcast_in_dim3A_1024 = vector.broadcast %broadcast_in_dim3A_1023 : i32 to vector<16xi32>
    %select_n3A_1025 = arith.select %eq3A_1022, %broadcast_in_dim3A_1024, %select_n3A_1021 : vector<16xi1>, vector<16xi32>
    %eq3A_1026 = arith.cmpf oeq, %div3A_986, %max3A_999 : vector<16xf32>
    %broadcast_in_dim3A_1027 = arith.constant 1 : i32
    %broadcast_in_dim3A_1028 = vector.broadcast %broadcast_in_dim3A_1027 : i32 to vector<16xi32>
    %select_n3A_1029 = arith.select %eq3A_1026, %broadcast_in_dim3A_1028, %select_n3A_1025 : vector<16xi1>, vector<16xi32>
    %eq3A_1030 = arith.cmpf oeq, %div3A_985, %max3A_999 : vector<16xf32>
    %broadcast_in_dim3A_1031 = arith.constant 0 : i32
    %broadcast_in_dim3A_1032 = vector.broadcast %broadcast_in_dim3A_1031 : i32 to vector<16xi32>
    %select_n3A_1033 = arith.select %eq3A_1030, %broadcast_in_dim3A_1032, %select_n3A_1029 : vector<16xi1>, vector<16xi32>
    %eq3A_1034 = arith.constant 0 : i32
    %eq3A_1035 = vector.broadcast %eq3A_1034 : i32 to vector<16xi32>
    %eq3A_1036 = arith.cmpi eq, %select_n3A_1033, %eq3A_1035 : vector<16xi32>
    %broadcast_in_dim3A_1037 = arith.constant -1.000000e+00 : f32
    %broadcast_in_dim3A_1038 = vector.broadcast %broadcast_in_dim3A_1037 : f32 to vector<16xf32>
    %select_n3A_1039 = arith.select %eq3A_1036, %broadcast_in_dim3A_1038, %div3A_985 : vector<16xi1>, vector<16xf32>
    %eq3A_1040 = arith.constant 1 : i32
    %eq3A_1041 = vector.broadcast %eq3A_1040 : i32 to vector<16xi32>
    %eq3A_1042 = arith.cmpi eq, %select_n3A_1033, %eq3A_1041 : vector<16xi32>
    %broadcast_in_dim3A_1043 = arith.constant -1.000000e+00 : f32
    %broadcast_in_dim3A_1044 = vector.broadcast %broadcast_in_dim3A_1043 : f32 to vector<16xf32>
    %select_n3A_1045 = arith.select %eq3A_1042, %broadcast_in_dim3A_1044, %div3A_986 : vector<16xi1>, vector<16xf32>
    %eq3A_1046 = arith.constant 2 : i32
    %eq3A_1047 = vector.broadcast %eq3A_1046 : i32 to vector<16xi32>
    %eq3A_1048 = arith.cmpi eq, %select_n3A_1033, %eq3A_1047 : vector<16xi32>
    %broadcast_in_dim3A_1049 = arith.constant -1.000000e+00 : f32
    %broadcast_in_dim3A_1050 = vector.broadcast %broadcast_in_dim3A_1049 : f32 to vector<16xf32>
    %select_n3A_1051 = arith.select %eq3A_1048, %broadcast_in_dim3A_1050, %div3A_987 : vector<16xi1>, vector<16xf32>
    %eq3A_1052 = arith.constant 3 : i32
    %eq3A_1053 = vector.broadcast %eq3A_1052 : i32 to vector<16xi32>
    %eq3A_1054 = arith.cmpi eq, %select_n3A_1033, %eq3A_1053 : vector<16xi32>
    %broadcast_in_dim3A_1055 = arith.constant -1.000000e+00 : f32
    %broadcast_in_dim3A_1056 = vector.broadcast %broadcast_in_dim3A_1055 : f32 to vector<16xf32>
    %select_n3A_1057 = arith.select %eq3A_1054, %broadcast_in_dim3A_1056, %div3A_988 : vector<16xi1>, vector<16xf32>
    %eq3A_1058 = arith.constant 4 : i32
    %eq3A_1059 = vector.broadcast %eq3A_1058 : i32 to vector<16xi32>
    %eq3A_1060 = arith.cmpi eq, %select_n3A_1033, %eq3A_1059 : vector<16xi32>
    %broadcast_in_dim3A_1061 = arith.constant -1.000000e+00 : f32
    %broadcast_in_dim3A_1062 = vector.broadcast %broadcast_in_dim3A_1061 : f32 to vector<16xf32>
    %select_n3A_1063 = arith.select %eq3A_1060, %broadcast_in_dim3A_1062, %div3A_989 : vector<16xi1>, vector<16xf32>
    %eq3A_1064 = arith.constant 5 : i32
    %eq3A_1065 = vector.broadcast %eq3A_1064 : i32 to vector<16xi32>
    %eq3A_1066 = arith.cmpi eq, %select_n3A_1033, %eq3A_1065 : vector<16xi32>
    %broadcast_in_dim3A_1067 = arith.constant -1.000000e+00 : f32
    %broadcast_in_dim3A_1068 = vector.broadcast %broadcast_in_dim3A_1067 : f32 to vector<16xf32>
    %select_n3A_1069 = arith.select %eq3A_1066, %broadcast_in_dim3A_1068, %div3A_990 : vector<16xi1>, vector<16xf32>
    %eq3A_1070 = arith.constant 6 : i32
    %eq3A_1071 = vector.broadcast %eq3A_1070 : i32 to vector<16xi32>
    %eq3A_1072 = arith.cmpi eq, %select_n3A_1033, %eq3A_1071 : vector<16xi32>
    %broadcast_in_dim3A_1073 = arith.constant -1.000000e+00 : f32
    %broadcast_in_dim3A_1074 = vector.broadcast %broadcast_in_dim3A_1073 : f32 to vector<16xf32>
    %select_n3A_1075 = arith.select %eq3A_1072, %broadcast_in_dim3A_1074, %div3A_991 : vector<16xi1>, vector<16xf32>
    %eq3A_1076 = arith.constant 7 : i32
    %eq3A_1077 = vector.broadcast %eq3A_1076 : i32 to vector<16xi32>
    %eq3A_1078 = arith.cmpi eq, %select_n3A_1033, %eq3A_1077 : vector<16xi32>
    %broadcast_in_dim3A_1079 = arith.constant -1.000000e+00 : f32
    %broadcast_in_dim3A_1080 = vector.broadcast %broadcast_in_dim3A_1079 : f32 to vector<16xf32>
    %select_n3A_1081 = arith.select %eq3A_1078, %broadcast_in_dim3A_1080, %div3A_992 : vector<16xi1>, vector<16xf32>
    %max3A_1082 = arith.maximumf %select_n3A_1039, %select_n3A_1045 : vector<16xf32>
    %max3A_1083 = arith.maximumf %max3A_1082, %select_n3A_1051 : vector<16xf32>
    %max3A_1084 = arith.maximumf %max3A_1083, %select_n3A_1057 : vector<16xf32>
    %max3A_1085 = arith.maximumf %max3A_1084, %select_n3A_1063 : vector<16xf32>
    %max3A_1086 = arith.maximumf %max3A_1085, %select_n3A_1069 : vector<16xf32>
    %max3A_1087 = arith.maximumf %max3A_1086, %select_n3A_1075 : vector<16xf32>
    %max3A_1088 = arith.maximumf %max3A_1087, %select_n3A_1081 : vector<16xf32>
    %broadcast_in_dim3A_1089 = arith.constant 7 : i32
    %broadcast_in_dim3A_1090 = vector.broadcast %broadcast_in_dim3A_1089 : i32 to vector<16xi32>
    %eq3A_1091 = arith.cmpf oeq, %select_n3A_1081, %max3A_1088 : vector<16xf32>
    %broadcast_in_dim3A_1092 = arith.constant 7 : i32
    %broadcast_in_dim3A_1093 = vector.broadcast %broadcast_in_dim3A_1092 : i32 to vector<16xi32>
    %select_n3A_1094 = arith.select %eq3A_1091, %broadcast_in_dim3A_1093, %broadcast_in_dim3A_1090 : vector<16xi1>, vector<16xi32>
    %eq3A_1095 = arith.cmpf oeq, %select_n3A_1075, %max3A_1088 : vector<16xf32>
    %broadcast_in_dim3A_1096 = arith.constant 6 : i32
    %broadcast_in_dim3A_1097 = vector.broadcast %broadcast_in_dim3A_1096 : i32 to vector<16xi32>
    %select_n3A_1098 = arith.select %eq3A_1095, %broadcast_in_dim3A_1097, %select_n3A_1094 : vector<16xi1>, vector<16xi32>
    %eq3A_1099 = arith.cmpf oeq, %select_n3A_1069, %max3A_1088 : vector<16xf32>
    %broadcast_in_dim3A_1100 = arith.constant 5 : i32
    %broadcast_in_dim3A_1101 = vector.broadcast %broadcast_in_dim3A_1100 : i32 to vector<16xi32>
    %select_n3A_1102 = arith.select %eq3A_1099, %broadcast_in_dim3A_1101, %select_n3A_1098 : vector<16xi1>, vector<16xi32>
    %eq3A_1103 = arith.cmpf oeq, %select_n3A_1063, %max3A_1088 : vector<16xf32>
    %broadcast_in_dim3A_1104 = arith.constant 4 : i32
    %broadcast_in_dim3A_1105 = vector.broadcast %broadcast_in_dim3A_1104 : i32 to vector<16xi32>
    %select_n3A_1106 = arith.select %eq3A_1103, %broadcast_in_dim3A_1105, %select_n3A_1102 : vector<16xi1>, vector<16xi32>
    %eq3A_1107 = arith.cmpf oeq, %select_n3A_1057, %max3A_1088 : vector<16xf32>
    %broadcast_in_dim3A_1108 = arith.constant 3 : i32
    %broadcast_in_dim3A_1109 = vector.broadcast %broadcast_in_dim3A_1108 : i32 to vector<16xi32>
    %select_n3A_1110 = arith.select %eq3A_1107, %broadcast_in_dim3A_1109, %select_n3A_1106 : vector<16xi1>, vector<16xi32>
    %eq3A_1111 = arith.cmpf oeq, %select_n3A_1051, %max3A_1088 : vector<16xf32>
    %broadcast_in_dim3A_1112 = arith.constant 2 : i32
    %broadcast_in_dim3A_1113 = vector.broadcast %broadcast_in_dim3A_1112 : i32 to vector<16xi32>
    %select_n3A_1114 = arith.select %eq3A_1111, %broadcast_in_dim3A_1113, %select_n3A_1110 : vector<16xi1>, vector<16xi32>
    %eq3A_1115 = arith.cmpf oeq, %select_n3A_1045, %max3A_1088 : vector<16xf32>
    %broadcast_in_dim3A_1116 = arith.constant 1 : i32
    %broadcast_in_dim3A_1117 = vector.broadcast %broadcast_in_dim3A_1116 : i32 to vector<16xi32>
    %select_n3A_1118 = arith.select %eq3A_1115, %broadcast_in_dim3A_1117, %select_n3A_1114 : vector<16xi1>, vector<16xi32>
    %eq3A_1119 = arith.cmpf oeq, %select_n3A_1039, %max3A_1088 : vector<16xf32>
    %broadcast_in_dim3A_1120 = arith.constant 0 : i32
    %broadcast_in_dim3A_1121 = vector.broadcast %broadcast_in_dim3A_1120 : i32 to vector<16xi32>
    %select_n3A_1122 = arith.select %eq3A_1119, %broadcast_in_dim3A_1121, %select_n3A_1118 : vector<16xi1>, vector<16xi32>
    %add3A_1123 = arith.addf %max3A_999, %max3A_1088 : vector<16xf32>
    %broadcast_in_dim3A_1124 = arith.constant 0.000000e+00 : f32
    %broadcast_in_dim3A_1125 = vector.broadcast %broadcast_in_dim3A_1124 : f32 to vector<16xf32>
    %eq3A_1126 = arith.constant 0 : i32
    %eq3A_1127 = vector.broadcast %eq3A_1126 : i32 to vector<16xi32>
    %eq3A_1128 = arith.cmpi eq, %select_n3A_1033, %eq3A_1127 : vector<16xi32>
    %select_n3A_1129 = arith.select %eq3A_1128, %max3A_999, %broadcast_in_dim3A_1125 : vector<16xi1>, vector<16xf32>
    %eq3A_1130 = arith.constant 0 : i32
    %eq3A_1131 = vector.broadcast %eq3A_1130 : i32 to vector<16xi32>
    %eq3A_1132 = arith.cmpi eq, %select_n3A_1122, %eq3A_1131 : vector<16xi32>
    %select_n3A_1133 = arith.select %eq3A_1132, %max3A_1088, %broadcast_in_dim3A_1125 : vector<16xi1>, vector<16xf32>
    %add3A_1134 = arith.addf %select_n3A_1129, %select_n3A_1133 : vector<16xf32>
    %div3A_1135 = arith.divf %add3A_1134, %add3A_1123 : vector<16xf32>
    %swap3A_1136 = arith.constant 48 : index
    %swap3A_1137 = tpu.vector_load %arg5[%swap3A_1136] {strides = array<i32>} : memref<512xf32, #tpu.memory_space<vmem>>, vector<16xf32>,
    %swap3A_1138 = vector.shape_cast %swap3A_1137 : vector<16xf32> to vector<16xf32>
    %swap3A_1139 = vector.shape_cast %div3A_1135 : vector<16xf32> to vector<16xf32>
    tpu.vector_store %arg5[%swap3A_1136], %swap3A_1139 {strides = array<i32>} : memref<512xf32, #tpu.memory_space<vmem>>, vector<16xf32>,
    %eq3A_1140 = arith.constant 1 : i32
    %eq3A_1141 = vector.broadcast %eq3A_1140 : i32 to vector<16xi32>
    %eq3A_1142 = arith.cmpi eq, %select_n3A_1033, %eq3A_1141 : vector<16xi32>
    %select_n3A_1143 = arith.select %eq3A_1142, %max3A_999, %broadcast_in_dim3A_1125 : vector<16xi1>, vector<16xf32>
    %eq3A_1144 = arith.constant 1 : i32
    %eq3A_1145 = vector.broadcast %eq3A_1144 : i32 to vector<16xi32>
    %eq3A_1146 = arith.cmpi eq, %select_n3A_1122, %eq3A_1145 : vector<16xi32>
    %select_n3A_1147 = arith.select %eq3A_1146, %max3A_1088, %broadcast_in_dim3A_1125 : vector<16xi1>, vector<16xf32>
    %add3A_1148 = arith.addf %select_n3A_1143, %select_n3A_1147 : vector<16xf32>
    %div3A_1149 = arith.divf %add3A_1148, %add3A_1123 : vector<16xf32>
    %swap3A_1150 = arith.constant 112 : index
    %swap3A_1151 = tpu.vector_load %arg5[%swap3A_1150] {strides = array<i32>} : memref<512xf32, #tpu.memory_space<vmem>>, vector<16xf32>,
    %swap3A_1152 = vector.shape_cast %swap3A_1151 : vector<16xf32> to vector<16xf32>
    %swap3A_1153 = vector.shape_cast %div3A_1149 : vector<16xf32> to vector<16xf32>
    tpu.vector_store %arg5[%swap3A_1150], %swap3A_1153 {strides = array<i32>} : memref<512xf32, #tpu.memory_space<vmem>>, vector<16xf32>,
    %eq3A_1154 = arith.constant 2 : i32
    %eq3A_1155 = vector.broadcast %eq3A_1154 : i32 to vector<16xi32>
    %eq3A_1156 = arith.cmpi eq, %select_n3A_1033, %eq3A_1155 : vector<16xi32>
    %select_n3A_1157 = arith.select %eq3A_1156, %max3A_999, %broadcast_in_dim3A_1125 : vector<16xi1>, vector<16xf32>
    %eq3A_1158 = arith.constant 2 : i32
    %eq3A_1159 = vector.broadcast %eq3A_1158 : i32 to vector<16xi32>
    %eq3A_1160 = arith.cmpi eq, %select_n3A_1122, %eq3A_1159 : vector<16xi32>
    %select_n3A_1161 = arith.select %eq3A_1160, %max3A_1088, %broadcast_in_dim3A_1125 : vector<16xi1>, vector<16xf32>
    %add3A_1162 = arith.addf %select_n3A_1157, %select_n3A_1161 : vector<16xf32>
    %div3A_1163 = arith.divf %add3A_1162, %add3A_1123 : vector<16xf32>
    %swap3A_1164 = arith.constant 176 : index
    %swap3A_1165 = tpu.vector_load %arg5[%swap3A_1164] {strides = array<i32>} : memref<512xf32, #tpu.memory_space<vmem>>, vector<16xf32>,
    %swap3A_1166 = vector.shape_cast %swap3A_1165 : vector<16xf32> to vector<16xf32>
    %swap3A_1167 = vector.shape_cast %div3A_1163 : vector<16xf32> to vector<16xf32>
    tpu.vector_store %arg5[%swap3A_1164], %swap3A_1167 {strides = array<i32>} : memref<512xf32, #tpu.memory_space<vmem>>, vector<16xf32>,
    %eq3A_1168 = arith.constant 3 : i32
    %eq3A_1169 = vector.broadcast %eq3A_1168 : i32 to vector<16xi32>
    %eq3A_1170 = arith.cmpi eq, %select_n3A_1033, %eq3A_1169 : vector<16xi32>
    %select_n3A_1171 = arith.select %eq3A_1170, %max3A_999, %broadcast_in_dim3A_1125 : vector<16xi1>, vector<16xf32>
    %eq3A_1172 = arith.constant 3 : i32
    %eq3A_1173 = vector.broadcast %eq3A_1172 : i32 to vector<16xi32>
    %eq3A_1174 = arith.cmpi eq, %select_n3A_1122, %eq3A_1173 : vector<16xi32>
    %select_n3A_1175 = arith.select %eq3A_1174, %max3A_1088, %broadcast_in_dim3A_1125 : vector<16xi1>, vector<16xf32>
    %add3A_1176 = arith.addf %select_n3A_1171, %select_n3A_1175 : vector<16xf32>
    %div3A_1177 = arith.divf %add3A_1176, %add3A_1123 : vector<16xf32>
    %swap3A_1178 = arith.constant 240 : index
    %swap3A_1179 = tpu.vector_load %arg5[%swap3A_1178] {strides = array<i32>} : memref<512xf32, #tpu.memory_space<vmem>>, vector<16xf32>,
    %swap3A_1180 = vector.shape_cast %swap3A_1179 : vector<16xf32> to vector<16xf32>
    %swap3A_1181 = vector.shape_cast %div3A_1177 : vector<16xf32> to vector<16xf32>
    tpu.vector_store %arg5[%swap3A_1178], %swap3A_1181 {strides = array<i32>} : memref<512xf32, #tpu.memory_space<vmem>>, vector<16xf32>,
    %eq3A_1182 = arith.constant 4 : i32
    %eq3A_1183 = vector.broadcast %eq3A_1182 : i32 to vector<16xi32>
    %eq3A_1184 = arith.cmpi eq, %select_n3A_1033, %eq3A_1183 : vector<16xi32>
    %select_n3A_1185 = arith.select %eq3A_1184, %max3A_999, %broadcast_in_dim3A_1125 : vector<16xi1>, vector<16xf32>
    %eq3A_1186 = arith.constant 4 : i32
    %eq3A_1187 = vector.broadcast %eq3A_1186 : i32 to vector<16xi32>
    %eq3A_1188 = arith.cmpi eq, %select_n3A_1122, %eq3A_1187 : vector<16xi32>
    %select_n3A_1189 = arith.select %eq3A_1188, %max3A_1088, %broadcast_in_dim3A_1125 : vector<16xi1>, vector<16xf32>
    %add3A_1190 = arith.addf %select_n3A_1185, %select_n3A_1189 : vector<16xf32>
    %div3A_1191 = arith.divf %add3A_1190, %add3A_1123 : vector<16xf32>
    %swap3A_1192 = arith.constant 304 : index
    %swap3A_1193 = tpu.vector_load %arg5[%swap3A_1192] {strides = array<i32>} : memref<512xf32, #tpu.memory_space<vmem>>, vector<16xf32>,
    %swap3A_1194 = vector.shape_cast %swap3A_1193 : vector<16xf32> to vector<16xf32>
    %swap3A_1195 = vector.shape_cast %div3A_1191 : vector<16xf32> to vector<16xf32>
    tpu.vector_store %arg5[%swap3A_1192], %swap3A_1195 {strides = array<i32>} : memref<512xf32, #tpu.memory_space<vmem>>, vector<16xf32>,
    %eq3A_1196 = arith.constant 5 : i32
    %eq3A_1197 = vector.broadcast %eq3A_1196 : i32 to vector<16xi32>
    %eq3A_1198 = arith.cmpi eq, %select_n3A_1033, %eq3A_1197 : vector<16xi32>
    %select_n3A_1199 = arith.select %eq3A_1198, %max3A_999, %broadcast_in_dim3A_1125 : vector<16xi1>, vector<16xf32>
    %eq3A_1200 = arith.constant 5 : i32
    %eq3A_1201 = vector.broadcast %eq3A_1200 : i32 to vector<16xi32>
    %eq3A_1202 = arith.cmpi eq, %select_n3A_1122, %eq3A_1201 : vector<16xi32>
    %select_n3A_1203 = arith.select %eq3A_1202, %max3A_1088, %broadcast_in_dim3A_1125 : vector<16xi1>, vector<16xf32>
    %add3A_1204 = arith.addf %select_n3A_1199, %select_n3A_1203 : vector<16xf32>
    %div3A_1205 = arith.divf %add3A_1204, %add3A_1123 : vector<16xf32>
    %swap3A_1206 = arith.constant 368 : index
    %swap3A_1207 = tpu.vector_load %arg5[%swap3A_1206] {strides = array<i32>} : memref<512xf32, #tpu.memory_space<vmem>>, vector<16xf32>,
    %swap3A_1208 = vector.shape_cast %swap3A_1207 : vector<16xf32> to vector<16xf32>
    %swap3A_1209 = vector.shape_cast %div3A_1205 : vector<16xf32> to vector<16xf32>
    tpu.vector_store %arg5[%swap3A_1206], %swap3A_1209 {strides = array<i32>} : memref<512xf32, #tpu.memory_space<vmem>>, vector<16xf32>,
    %eq3A_1210 = arith.constant 6 : i32
    %eq3A_1211 = vector.broadcast %eq3A_1210 : i32 to vector<16xi32>
    %eq3A_1212 = arith.cmpi eq, %select_n3A_1033, %eq3A_1211 : vector<16xi32>
    %select_n3A_1213 = arith.select %eq3A_1212, %max3A_999, %broadcast_in_dim3A_1125 : vector<16xi1>, vector<16xf32>
    %eq3A_1214 = arith.constant 6 : i32
    %eq3A_1215 = vector.broadcast %eq3A_1214 : i32 to vector<16xi32>
    %eq3A_1216 = arith.cmpi eq, %select_n3A_1122, %eq3A_1215 : vector<16xi32>
    %select_n3A_1217 = arith.select %eq3A_1216, %max3A_1088, %broadcast_in_dim3A_1125 : vector<16xi1>, vector<16xf32>
    %add3A_1218 = arith.addf %select_n3A_1213, %select_n3A_1217 : vector<16xf32>
    %div3A_1219 = arith.divf %add3A_1218, %add3A_1123 : vector<16xf32>
    %swap3A_1220 = arith.constant 432 : index
    %swap3A_1221 = tpu.vector_load %arg5[%swap3A_1220] {strides = array<i32>} : memref<512xf32, #tpu.memory_space<vmem>>, vector<16xf32>,
    %swap3A_1222 = vector.shape_cast %swap3A_1221 : vector<16xf32> to vector<16xf32>
    %swap3A_1223 = vector.shape_cast %div3A_1219 : vector<16xf32> to vector<16xf32>
    tpu.vector_store %arg5[%swap3A_1220], %swap3A_1223 {strides = array<i32>} : memref<512xf32, #tpu.memory_space<vmem>>, vector<16xf32>,
    %eq3A_1224 = arith.constant 7 : i32
    %eq3A_1225 = vector.broadcast %eq3A_1224 : i32 to vector<16xi32>
    %eq3A_1226 = arith.cmpi eq, %select_n3A_1033, %eq3A_1225 : vector<16xi32>
    %select_n3A_1227 = arith.select %eq3A_1226, %max3A_999, %broadcast_in_dim3A_1125 : vector<16xi1>, vector<16xf32>
    %eq3A_1228 = arith.constant 7 : i32
    %eq3A_1229 = vector.broadcast %eq3A_1228 : i32 to vector<16xi32>
    %eq3A_1230 = arith.cmpi eq, %select_n3A_1122, %eq3A_1229 : vector<16xi32>
    %select_n3A_1231 = arith.select %eq3A_1230, %max3A_1088, %broadcast_in_dim3A_1125 : vector<16xi1>, vector<16xf32>
    %add3A_1232 = arith.addf %select_n3A_1227, %select_n3A_1231 : vector<16xf32>
    %div3A_1233 = arith.divf %add3A_1232, %add3A_1123 : vector<16xf32>
    %swap3A_1234 = arith.constant 496 : index
    %swap3A_1235 = tpu.vector_load %arg5[%swap3A_1234] {strides = array<i32>} : memref<512xf32, #tpu.memory_space<vmem>>, vector<16xf32>,
    %swap3A_1236 = vector.shape_cast %swap3A_1235 : vector<16xf32> to vector<16xf32>
    %swap3A_1237 = vector.shape_cast %div3A_1233 : vector<16xf32> to vector<16xf32>
    tpu.vector_store %arg5[%swap3A_1234], %swap3A_1237 {strides = array<i32>} : memref<512xf32, #tpu.memory_space<vmem>>, vector<16xf32>,
    %add3A_1238 = arith.constant 0 : i32
    %add3A_1239 = arith.addi %add3A_1238, %mul3A_2 : i32
    "tpu.region"() ({
      %run_scoped3A = tpu.sem_alloc : memref<!tpu.dma_semaphore, #tpu.memory_space<semaphore_mem>>
      %dma_start3A = arith.constant 0 : i32
      %dma_start3A_1254 = tpu.memref_slice %arg5[%dma_start3A] : memref<512xf32, #tpu.memory_space<vmem>> -> memref<64xf32, #tpu.memory_space<vmem>>
      %dma_start3A_1255 = tpu.memref_slice %arg3[%add3A_1239] : memref<16384xf32, #tpu.memory_space<hbm>> -> memref<64xf32, #tpu.memory_space<hbm>>
      %dma_start3A_1256 = tpu.memref_slice %arg3[%add3A_1239] : memref<16384xf32, #tpu.memory_space<hbm>> -> memref<64xf32, #tpu.memory_space<hbm>>
      %dma_start3A_1257 = arith.constant 0 : i32
      %dma_start3A_1258 = tpu.memref_slice %arg5[%dma_start3A_1257] : memref<512xf32, #tpu.memory_space<vmem>> -> memref<64xf32, #tpu.memory_space<vmem>>
      tpu.enqueue_dma source(%dma_start3A_1258 : memref<64xf32, #tpu.memory_space<vmem>>) target(%dma_start3A_1256 : memref<64xf32, #tpu.memory_space<hbm>>) target_semaphore(%run_scoped3A : memref<!tpu.dma_semaphore, #tpu.memory_space<semaphore_mem>>)
      %dma_wait3A = arith.constant 0 : i32
      %dma_wait3A_1259 = tpu.memref_slice %arg5[%dma_wait3A] : memref<512xf32, #tpu.memory_space<vmem>> -> memref<64xf32, #tpu.memory_space<vmem>>
      %dma_wait3A_1260 = tpu.memref_slice %arg3[%add3A_1239] : memref<16384xf32, #tpu.memory_space<hbm>> -> memref<64xf32, #tpu.memory_space<hbm>>
      %dma_wait3A_1261 = tpu.memref_slice %arg3[%add3A_1239] : memref<16384xf32, #tpu.memory_space<hbm>> -> memref<64xf32, #tpu.memory_space<hbm>>
      %dma_wait3A_1262 = arith.constant 0 : i32
      %dma_wait3A_1263 = tpu.memref_slice %arg5[%dma_wait3A_1262] : memref<512xf32, #tpu.memory_space<vmem>> -> memref<64xf32, #tpu.memory_space<vmem>>
      tpu.wait_dma2 semaphore(%run_scoped3A : memref<!tpu.dma_semaphore, #tpu.memory_space<semaphore_mem>>) src(%dma_wait3A_1263 : memref<64xf32, #tpu.memory_space<vmem>>) dst(%dma_wait3A_1261 : memref<64xf32, #tpu.memory_space<hbm>>)
      tpu.yield
    }) : () -> ()
    %add3A_1240 = arith.constant 2048 : i32
    %add3A_1241 = arith.addi %add3A_1240, %mul3A_2 : i32
    "tpu.region"() ({
      %run_scoped3A = tpu.sem_alloc : memref<!tpu.dma_semaphore, #tpu.memory_space<semaphore_mem>>
      %dma_start3A = arith.constant 64 : i32
      %dma_start3A_1254 = tpu.memref_slice %arg5[%dma_start3A] : memref<512xf32, #tpu.memory_space<vmem>> -> memref<64xf32, #tpu.memory_space<vmem>>
      %dma_start3A_1255 = tpu.memref_slice %arg3[%add3A_1241] : memref<16384xf32, #tpu.memory_space<hbm>> -> memref<64xf32, #tpu.memory_space<hbm>>
      %dma_start3A_1256 = tpu.memref_slice %arg3[%add3A_1241] : memref<16384xf32, #tpu.memory_space<hbm>> -> memref<64xf32, #tpu.memory_space<hbm>>
      %dma_start3A_1257 = arith.constant 64 : i32
      %dma_start3A_1258 = tpu.memref_slice %arg5[%dma_start3A_1257] : memref<512xf32, #tpu.memory_space<vmem>> -> memref<64xf32, #tpu.memory_space<vmem>>
      tpu.enqueue_dma source(%dma_start3A_1258 : memref<64xf32, #tpu.memory_space<vmem>>) target(%dma_start3A_1256 : memref<64xf32, #tpu.memory_space<hbm>>) target_semaphore(%run_scoped3A : memref<!tpu.dma_semaphore, #tpu.memory_space<semaphore_mem>>)
      %dma_wait3A = arith.constant 64 : i32
      %dma_wait3A_1259 = tpu.memref_slice %arg5[%dma_wait3A] : memref<512xf32, #tpu.memory_space<vmem>> -> memref<64xf32, #tpu.memory_space<vmem>>
      %dma_wait3A_1260 = tpu.memref_slice %arg3[%add3A_1241] : memref<16384xf32, #tpu.memory_space<hbm>> -> memref<64xf32, #tpu.memory_space<hbm>>
      %dma_wait3A_1261 = tpu.memref_slice %arg3[%add3A_1241] : memref<16384xf32, #tpu.memory_space<hbm>> -> memref<64xf32, #tpu.memory_space<hbm>>
      %dma_wait3A_1262 = arith.constant 64 : i32
      %dma_wait3A_1263 = tpu.memref_slice %arg5[%dma_wait3A_1262] : memref<512xf32, #tpu.memory_space<vmem>> -> memref<64xf32, #tpu.memory_space<vmem>>
      tpu.wait_dma2 semaphore(%run_scoped3A : memref<!tpu.dma_semaphore, #tpu.memory_space<semaphore_mem>>) src(%dma_wait3A_1263 : memref<64xf32, #tpu.memory_space<vmem>>) dst(%dma_wait3A_1261 : memref<64xf32, #tpu.memory_space<hbm>>)
      tpu.yield
    }) : () -> ()
    %add3A_1242 = arith.constant 4096 : i32
    %add3A_1243 = arith.addi %add3A_1242, %mul3A_2 : i32
    "tpu.region"() ({
      %run_scoped3A = tpu.sem_alloc : memref<!tpu.dma_semaphore, #tpu.memory_space<semaphore_mem>>
      %dma_start3A = arith.constant 128 : i32
      %dma_start3A_1254 = tpu.memref_slice %arg5[%dma_start3A] : memref<512xf32, #tpu.memory_space<vmem>> -> memref<64xf32, #tpu.memory_space<vmem>>
      %dma_start3A_1255 = tpu.memref_slice %arg3[%add3A_1243] : memref<16384xf32, #tpu.memory_space<hbm>> -> memref<64xf32, #tpu.memory_space<hbm>>
      %dma_start3A_1256 = tpu.memref_slice %arg3[%add3A_1243] : memref<16384xf32, #tpu.memory_space<hbm>> -> memref<64xf32, #tpu.memory_space<hbm>>
      %dma_start3A_1257 = arith.constant 128 : i32
      %dma_start3A_1258 = tpu.memref_slice %arg5[%dma_start3A_1257] : memref<512xf32, #tpu.memory_space<vmem>> -> memref<64xf32, #tpu.memory_space<vmem>>
      tpu.enqueue_dma source(%dma_start3A_1258 : memref<64xf32, #tpu.memory_space<vmem>>) target(%dma_start3A_1256 : memref<64xf32, #tpu.memory_space<hbm>>) target_semaphore(%run_scoped3A : memref<!tpu.dma_semaphore, #tpu.memory_space<semaphore_mem>>)
      %dma_wait3A = arith.constant 128 : i32
      %dma_wait3A_1259 = tpu.memref_slice %arg5[%dma_wait3A] : memref<512xf32, #tpu.memory_space<vmem>> -> memref<64xf32, #tpu.memory_space<vmem>>
      %dma_wait3A_1260 = tpu.memref_slice %arg3[%add3A_1243] : memref<16384xf32, #tpu.memory_space<hbm>> -> memref<64xf32, #tpu.memory_space<hbm>>
      %dma_wait3A_1261 = tpu.memref_slice %arg3[%add3A_1243] : memref<16384xf32, #tpu.memory_space<hbm>> -> memref<64xf32, #tpu.memory_space<hbm>>
      %dma_wait3A_1262 = arith.constant 128 : i32
      %dma_wait3A_1263 = tpu.memref_slice %arg5[%dma_wait3A_1262] : memref<512xf32, #tpu.memory_space<vmem>> -> memref<64xf32, #tpu.memory_space<vmem>>
      tpu.wait_dma2 semaphore(%run_scoped3A : memref<!tpu.dma_semaphore, #tpu.memory_space<semaphore_mem>>) src(%dma_wait3A_1263 : memref<64xf32, #tpu.memory_space<vmem>>) dst(%dma_wait3A_1261 : memref<64xf32, #tpu.memory_space<hbm>>)
      tpu.yield
    }) : () -> ()
    %add3A_1244 = arith.constant 6144 : i32
    %add3A_1245 = arith.addi %add3A_1244, %mul3A_2 : i32
    "tpu.region"() ({
      %run_scoped3A = tpu.sem_alloc : memref<!tpu.dma_semaphore, #tpu.memory_space<semaphore_mem>>
      %dma_start3A = arith.constant 192 : i32
      %dma_start3A_1254 = tpu.memref_slice %arg5[%dma_start3A] : memref<512xf32, #tpu.memory_space<vmem>> -> memref<64xf32, #tpu.memory_space<vmem>>
      %dma_start3A_1255 = tpu.memref_slice %arg3[%add3A_1245] : memref<16384xf32, #tpu.memory_space<hbm>> -> memref<64xf32, #tpu.memory_space<hbm>>
      %dma_start3A_1256 = tpu.memref_slice %arg3[%add3A_1245] : memref<16384xf32, #tpu.memory_space<hbm>> -> memref<64xf32, #tpu.memory_space<hbm>>
      %dma_start3A_1257 = arith.constant 192 : i32
      %dma_start3A_1258 = tpu.memref_slice %arg5[%dma_start3A_1257] : memref<512xf32, #tpu.memory_space<vmem>> -> memref<64xf32, #tpu.memory_space<vmem>>
      tpu.enqueue_dma source(%dma_start3A_1258 : memref<64xf32, #tpu.memory_space<vmem>>) target(%dma_start3A_1256 : memref<64xf32, #tpu.memory_space<hbm>>) target_semaphore(%run_scoped3A : memref<!tpu.dma_semaphore, #tpu.memory_space<semaphore_mem>>)
      %dma_wait3A = arith.constant 192 : i32
      %dma_wait3A_1259 = tpu.memref_slice %arg5[%dma_wait3A] : memref<512xf32, #tpu.memory_space<vmem>> -> memref<64xf32, #tpu.memory_space<vmem>>
      %dma_wait3A_1260 = tpu.memref_slice %arg3[%add3A_1245] : memref<16384xf32, #tpu.memory_space<hbm>> -> memref<64xf32, #tpu.memory_space<hbm>>
      %dma_wait3A_1261 = tpu.memref_slice %arg3[%add3A_1245] : memref<16384xf32, #tpu.memory_space<hbm>> -> memref<64xf32, #tpu.memory_space<hbm>>
      %dma_wait3A_1262 = arith.constant 192 : i32
      %dma_wait3A_1263 = tpu.memref_slice %arg5[%dma_wait3A_1262] : memref<512xf32, #tpu.memory_space<vmem>> -> memref<64xf32, #tpu.memory_space<vmem>>
      tpu.wait_dma2 semaphore(%run_scoped3A : memref<!tpu.dma_semaphore, #tpu.memory_space<semaphore_mem>>) src(%dma_wait3A_1263 : memref<64xf32, #tpu.memory_space<vmem>>) dst(%dma_wait3A_1261 : memref<64xf32, #tpu.memory_space<hbm>>)
      tpu.yield
    }) : () -> ()
    %add3A_1246 = arith.constant 8192 : i32
    %add3A_1247 = arith.addi %add3A_1246, %mul3A_2 : i32
    "tpu.region"() ({
      %run_scoped3A = tpu.sem_alloc : memref<!tpu.dma_semaphore, #tpu.memory_space<semaphore_mem>>
      %dma_start3A = arith.constant 256 : i32
      %dma_start3A_1254 = tpu.memref_slice %arg5[%dma_start3A] : memref<512xf32, #tpu.memory_space<vmem>> -> memref<64xf32, #tpu.memory_space<vmem>>
      %dma_start3A_1255 = tpu.memref_slice %arg3[%add3A_1247] : memref<16384xf32, #tpu.memory_space<hbm>> -> memref<64xf32, #tpu.memory_space<hbm>>
      %dma_start3A_1256 = tpu.memref_slice %arg3[%add3A_1247] : memref<16384xf32, #tpu.memory_space<hbm>> -> memref<64xf32, #tpu.memory_space<hbm>>
      %dma_start3A_1257 = arith.constant 256 : i32
      %dma_start3A_1258 = tpu.memref_slice %arg5[%dma_start3A_1257] : memref<512xf32, #tpu.memory_space<vmem>> -> memref<64xf32, #tpu.memory_space<vmem>>
      tpu.enqueue_dma source(%dma_start3A_1258 : memref<64xf32, #tpu.memory_space<vmem>>) target(%dma_start3A_1256 : memref<64xf32, #tpu.memory_space<hbm>>) target_semaphore(%run_scoped3A : memref<!tpu.dma_semaphore, #tpu.memory_space<semaphore_mem>>)
      %dma_wait3A = arith.constant 256 : i32
      %dma_wait3A_1259 = tpu.memref_slice %arg5[%dma_wait3A] : memref<512xf32, #tpu.memory_space<vmem>> -> memref<64xf32, #tpu.memory_space<vmem>>
      %dma_wait3A_1260 = tpu.memref_slice %arg3[%add3A_1247] : memref<16384xf32, #tpu.memory_space<hbm>> -> memref<64xf32, #tpu.memory_space<hbm>>
      %dma_wait3A_1261 = tpu.memref_slice %arg3[%add3A_1247] : memref<16384xf32, #tpu.memory_space<hbm>> -> memref<64xf32, #tpu.memory_space<hbm>>
      %dma_wait3A_1262 = arith.constant 256 : i32
      %dma_wait3A_1263 = tpu.memref_slice %arg5[%dma_wait3A_1262] : memref<512xf32, #tpu.memory_space<vmem>> -> memref<64xf32, #tpu.memory_space<vmem>>
      tpu.wait_dma2 semaphore(%run_scoped3A : memref<!tpu.dma_semaphore, #tpu.memory_space<semaphore_mem>>) src(%dma_wait3A_1263 : memref<64xf32, #tpu.memory_space<vmem>>) dst(%dma_wait3A_1261 : memref<64xf32, #tpu.memory_space<hbm>>)
      tpu.yield
    }) : () -> ()
    %add3A_1248 = arith.constant 10240 : i32
    %add3A_1249 = arith.addi %add3A_1248, %mul3A_2 : i32
    "tpu.region"() ({
      %run_scoped3A = tpu.sem_alloc : memref<!tpu.dma_semaphore, #tpu.memory_space<semaphore_mem>>
      %dma_start3A = arith.constant 320 : i32
      %dma_start3A_1254 = tpu.memref_slice %arg5[%dma_start3A] : memref<512xf32, #tpu.memory_space<vmem>> -> memref<64xf32, #tpu.memory_space<vmem>>
      %dma_start3A_1255 = tpu.memref_slice %arg3[%add3A_1249] : memref<16384xf32, #tpu.memory_space<hbm>> -> memref<64xf32, #tpu.memory_space<hbm>>
      %dma_start3A_1256 = tpu.memref_slice %arg3[%add3A_1249] : memref<16384xf32, #tpu.memory_space<hbm>> -> memref<64xf32, #tpu.memory_space<hbm>>
      %dma_start3A_1257 = arith.constant 320 : i32
      %dma_start3A_1258 = tpu.memref_slice %arg5[%dma_start3A_1257] : memref<512xf32, #tpu.memory_space<vmem>> -> memref<64xf32, #tpu.memory_space<vmem>>
      tpu.enqueue_dma source(%dma_start3A_1258 : memref<64xf32, #tpu.memory_space<vmem>>) target(%dma_start3A_1256 : memref<64xf32, #tpu.memory_space<hbm>>) target_semaphore(%run_scoped3A : memref<!tpu.dma_semaphore, #tpu.memory_space<semaphore_mem>>)
      %dma_wait3A = arith.constant 320 : i32
      %dma_wait3A_1259 = tpu.memref_slice %arg5[%dma_wait3A] : memref<512xf32, #tpu.memory_space<vmem>> -> memref<64xf32, #tpu.memory_space<vmem>>
      %dma_wait3A_1260 = tpu.memref_slice %arg3[%add3A_1249] : memref<16384xf32, #tpu.memory_space<hbm>> -> memref<64xf32, #tpu.memory_space<hbm>>
      %dma_wait3A_1261 = tpu.memref_slice %arg3[%add3A_1249] : memref<16384xf32, #tpu.memory_space<hbm>> -> memref<64xf32, #tpu.memory_space<hbm>>
      %dma_wait3A_1262 = arith.constant 320 : i32
      %dma_wait3A_1263 = tpu.memref_slice %arg5[%dma_wait3A_1262] : memref<512xf32, #tpu.memory_space<vmem>> -> memref<64xf32, #tpu.memory_space<vmem>>
      tpu.wait_dma2 semaphore(%run_scoped3A : memref<!tpu.dma_semaphore, #tpu.memory_space<semaphore_mem>>) src(%dma_wait3A_1263 : memref<64xf32, #tpu.memory_space<vmem>>) dst(%dma_wait3A_1261 : memref<64xf32, #tpu.memory_space<hbm>>)
      tpu.yield
    }) : () -> ()
    %add3A_1250 = arith.constant 12288 : i32
    %add3A_1251 = arith.addi %add3A_1250, %mul3A_2 : i32
    "tpu.region"() ({
      %run_scoped3A = tpu.sem_alloc : memref<!tpu.dma_semaphore, #tpu.memory_space<semaphore_mem>>
      %dma_start3A = arith.constant 384 : i32
      %dma_start3A_1254 = tpu.memref_slice %arg5[%dma_start3A] : memref<512xf32, #tpu.memory_space<vmem>> -> memref<64xf32, #tpu.memory_space<vmem>>
      %dma_start3A_1255 = tpu.memref_slice %arg3[%add3A_1251] : memref<16384xf32, #tpu.memory_space<hbm>> -> memref<64xf32, #tpu.memory_space<hbm>>
      %dma_start3A_1256 = tpu.memref_slice %arg3[%add3A_1251] : memref<16384xf32, #tpu.memory_space<hbm>> -> memref<64xf32, #tpu.memory_space<hbm>>
      %dma_start3A_1257 = arith.constant 384 : i32
      %dma_start3A_1258 = tpu.memref_slice %arg5[%dma_start3A_1257] : memref<512xf32, #tpu.memory_space<vmem>> -> memref<64xf32, #tpu.memory_space<vmem>>
      tpu.enqueue_dma source(%dma_start3A_1258 : memref<64xf32, #tpu.memory_space<vmem>>) target(%dma_start3A_1256 : memref<64xf32, #tpu.memory_space<hbm>>) target_semaphore(%run_scoped3A : memref<!tpu.dma_semaphore, #tpu.memory_space<semaphore_mem>>)
      %dma_wait3A = arith.constant 384 : i32
      %dma_wait3A_1259 = tpu.memref_slice %arg5[%dma_wait3A] : memref<512xf32, #tpu.memory_space<vmem>> -> memref<64xf32, #tpu.memory_space<vmem>>
      %dma_wait3A_1260 = tpu.memref_slice %arg3[%add3A_1251] : memref<16384xf32, #tpu.memory_space<hbm>> -> memref<64xf32, #tpu.memory_space<hbm>>
      %dma_wait3A_1261 = tpu.memref_slice %arg3[%add3A_1251] : memref<16384xf32, #tpu.memory_space<hbm>> -> memref<64xf32, #tpu.memory_space<hbm>>
      %dma_wait3A_1262 = arith.constant 384 : i32
      %dma_wait3A_1263 = tpu.memref_slice %arg5[%dma_wait3A_1262] : memref<512xf32, #tpu.memory_space<vmem>> -> memref<64xf32, #tpu.memory_space<vmem>>
      tpu.wait_dma2 semaphore(%run_scoped3A : memref<!tpu.dma_semaphore, #tpu.memory_space<semaphore_mem>>) src(%dma_wait3A_1263 : memref<64xf32, #tpu.memory_space<vmem>>) dst(%dma_wait3A_1261 : memref<64xf32, #tpu.memory_space<hbm>>)
      tpu.yield
    }) : () -> ()
    %add3A_1252 = arith.constant 14336 : i32
    %add3A_1253 = arith.addi %add3A_1252, %mul3A_2 : i32
    "tpu.region"() ({
      %run_scoped3A = tpu.sem_alloc : memref<!tpu.dma_semaphore, #tpu.memory_space<semaphore_mem>>
      %dma_start3A = arith.constant 448 : i32
      %dma_start3A_1254 = tpu.memref_slice %arg5[%dma_start3A] : memref<512xf32, #tpu.memory_space<vmem>> -> memref<64xf32, #tpu.memory_space<vmem>>
      %dma_start3A_1255 = tpu.memref_slice %arg3[%add3A_1253] : memref<16384xf32, #tpu.memory_space<hbm>> -> memref<64xf32, #tpu.memory_space<hbm>>
      %dma_start3A_1256 = tpu.memref_slice %arg3[%add3A_1253] : memref<16384xf32, #tpu.memory_space<hbm>> -> memref<64xf32, #tpu.memory_space<hbm>>
      %dma_start3A_1257 = arith.constant 448 : i32
      %dma_start3A_1258 = tpu.memref_slice %arg5[%dma_start3A_1257] : memref<512xf32, #tpu.memory_space<vmem>> -> memref<64xf32, #tpu.memory_space<vmem>>
      tpu.enqueue_dma source(%dma_start3A_1258 : memref<64xf32, #tpu.memory_space<vmem>>) target(%dma_start3A_1256 : memref<64xf32, #tpu.memory_space<hbm>>) target_semaphore(%run_scoped3A : memref<!tpu.dma_semaphore, #tpu.memory_space<semaphore_mem>>)
      %dma_wait3A = arith.constant 448 : i32
      %dma_wait3A_1259 = tpu.memref_slice %arg5[%dma_wait3A] : memref<512xf32, #tpu.memory_space<vmem>> -> memref<64xf32, #tpu.memory_space<vmem>>
      %dma_wait3A_1260 = tpu.memref_slice %arg3[%add3A_1253] : memref<16384xf32, #tpu.memory_space<hbm>> -> memref<64xf32, #tpu.memory_space<hbm>>
      %dma_wait3A_1261 = tpu.memref_slice %arg3[%add3A_1253] : memref<16384xf32, #tpu.memory_space<hbm>> -> memref<64xf32, #tpu.memory_space<hbm>>
      %dma_wait3A_1262 = arith.constant 448 : i32
      %dma_wait3A_1263 = tpu.memref_slice %arg5[%dma_wait3A_1262] : memref<512xf32, #tpu.memory_space<vmem>> -> memref<64xf32, #tpu.memory_space<vmem>>
      tpu.wait_dma2 semaphore(%run_scoped3A : memref<!tpu.dma_semaphore, #tpu.memory_space<semaphore_mem>>) src(%dma_wait3A_1263 : memref<64xf32, #tpu.memory_space<vmem>>) dst(%dma_wait3A_1261 : memref<64xf32, #tpu.memory_space<hbm>>)
      tpu.yield
    }) : () -> ()
    return
  }
}

module {
  func.func @main(%arg0: i32, %arg1: i32, %arg2: i32, %arg3: memref<1x1024x1024xf32, #tpu.memory_space<vmem>>, %arg4: memref<1x1024x64xf32, #tpu.memory_space<vmem>>, %arg5: memref<1x1024x64xf32, #tpu.memory_space<vmem>>, %arg6: memref<1x1024x1xf32, #tpu.memory_space<vmem>>, %arg7: memref<1x1024x1xf32, #tpu.memory_space<vmem>>) attributes {dimension_semantics = [#tpu.dimension_semantics<parallel>, #tpu.dimension_semantics<parallel>, #tpu.dimension_semantics<arbitrary>], iteration_bounds = array<i64: 16, 2, 2>, scratch_operands = 2 : i64, window_params = [{transform_indices = @qk_fn, window_bounds = array<i64: 1, 1024, 1024>}, {transform_indices = @v_fn, window_bounds = array<i64: 1, 1024, 64>}, {transform_indices = @oi_fn, window_bounds = array<i64: 1, 1024, 64>}]} {
    %c0 = arith.constant 0 : index
    %c0_i32 = arith.constant 0 : i32
    %0 = arith.cmpi eq, %c0_i32, %arg2 : i32
    scf.if %0 {
      %cst_3 = arith.constant dense<0.000000e+00> : vector<1x1024x64xf32>
      vector.store %cst_3, %arg5[%c0, %c0, %c0] : memref<1x1024x64xf32, #tpu.memory_space<vmem>>, vector<1x1024x64xf32>
      %cst_4 = arith.constant dense<0xFF800000> : vector<1x1024x1xf32>
      vector.store %cst_4, %arg6[%c0, %c0, %c0] : memref<1x1024x1xf32, #tpu.memory_space<vmem>>, vector<1x1024x1xf32>
      %cst_5 = arith.constant dense<0.000000e+00> : vector<1x1024x1xf32>
      vector.store %cst_5, %arg7[%c0, %c0, %c0] : memref<1x1024x1xf32, #tpu.memory_space<vmem>>, vector<1x1024x1xf32>
    }
    %1 = vector.load %arg3[%c0, %c0, %c0] : memref<1x1024x1024xf32, #tpu.memory_space<vmem>>, vector<1x1024x1024xf32>
    %cst = arith.constant dense<0xFF800000> : vector<1x1024xf32>
    %2 = vector.multi_reduction <maximumf>, %1, %cst [2] : vector<1x1024x1024xf32> to vector<1x1024xf32>
    %3 = vector.shape_cast %2 : vector<1x1024xf32> to vector<1x1024x1xf32>
    %4 = vector.load %arg6[%c0, %c0, %c0] : memref<1x1024x1xf32, #tpu.memory_space<vmem>>, vector<1x1024x1xf32>
    %5 = arith.maximumf %4, %3 : vector<1x1024x1xf32>
    %cst_0 = arith.constant dense<0.000000e+00> : vector<1x1024x1xf32>
    %6 = arith.cmpf oeq, %4, %5 : vector<1x1024x1xf32>
    %7 = arith.subf %4, %5 : vector<1x1024x1xf32>
    %8 = arith.select %6, %cst_0, %7 : vector<1x1024x1xi1>, vector<1x1024x1xf32>
    %9 = vector.broadcast %5 : vector<1x1024x1xf32> to vector<1x1024x1024xf32>
    %10 = arith.subf %1, %9 : vector<1x1024x1024xf32>
    %11 = math.exp %10 : vector<1x1024x1024xf32>
    %cst_1 = arith.constant dense<0.000000e+00> : vector<1x1024xf32>
    %12 = vector.multi_reduction <add>, %11, %cst_1 [2] : vector<1x1024x1024xf32> to vector<1x1024xf32>
    %13 = vector.shape_cast %12 : vector<1x1024xf32> to vector<1x1024x1xf32>
    %14 = vector.load %arg7[%c0, %c0, %c0] : memref<1x1024x1xf32, #tpu.memory_space<vmem>>, vector<1x1024x1xf32>
    %15 = math.exp %8 : vector<1x1024x1xf32>
    %16 = arith.mulf %15, %14 : vector<1x1024x1xf32>
    %17 = arith.addf %16, %13 : vector<1x1024x1xf32>
    %18 = vector.load %arg5[%c0, %c0, %c0] : memref<1x1024x64xf32, #tpu.memory_space<vmem>>, vector<1x1024x64xf32>
    %19 = math.exp %8 : vector<1x1024x1xf32>
    %20 = arith.mulf %19, %14 : vector<1x1024x1xf32>
    %21 = vector.broadcast %20 : vector<1x1024x1xf32> to vector<1x1024x64xf32>
    %22 = arith.mulf %21, %18 : vector<1x1024x64xf32>
    %23 = vector.load %arg4[%c0, %c0, %c0] : memref<1x1024x64xf32, #tpu.memory_space<vmem>>, vector<1x1024x64xf32>
    %24 = vector.shape_cast %23 : vector<1x1024x64xf32> to vector<1024x64xf32>
    %25 = vector.shape_cast %11 : vector<1x1024x1024xf32> to vector<1024x1024xf32>
    %26 = vector.shape_cast %22 : vector<1x1024x64xf32> to vector<1024x64xf32>
    %27 = tpu.matmul %25, %24, %26 {dimension_numbers = #tpu.dot_dimension_numbers<[1], [0], [0], [1], [0, 0, 1, 1], [], []>, precision = #tpu.contract_precision<bf16>, transpose_lhs_hint = false} : vector<1024x1024xf32>, vector<1024x64xf32>, vector<1024x64xf32> -> vector<1024x64xf32>
    %28 = vector.shape_cast %27 : vector<1024x64xf32> to vector<1x1024x64xf32>
    %cst_2 = arith.constant dense<1.000000e+00> : vector<1x1024x1xf32>
    %29 = arith.divf %cst_2, %17 : vector<1x1024x1xf32>
    %30 = vector.broadcast %29 : vector<1x1024x1xf32> to vector<1x1024x64xf32>
    %31 = arith.mulf %28, %30 : vector<1x1024x64xf32>
    %32 = vector.shape_cast %31 : vector<1x1024x64xf32> to vector<1x1024x64xf32>
    vector.store %32, %arg5[%c0, %c0, %c0] : memref<1x1024x64xf32, #tpu.memory_space<vmem>>, vector<1x1024x64xf32>
    vector.store %5, %arg6[%c0, %c0, %c0] : memref<1x1024x1xf32, #tpu.memory_space<vmem>>, vector<1x1024x1xf32>
    vector.store %17, %arg7[%c0, %c0, %c0] : memref<1x1024x1xf32, #tpu.memory_space<vmem>>, vector<1x1024x1xf32>
    return
  }
  func.func @qk_fn(%arg0: i32, %arg1: i32, %arg2: i32) -> (i32, i32, i32) {
    return %arg0, %arg1, %arg2 : i32, i32, i32
  }
  func.func @v_fn(%arg0: i32, %arg1: i32, %arg2: i32) -> (i32, i32, i32) {
    %c0_i32 = arith.constant 0 : i32
    return %arg0, %arg2, %c0_i32 : i32, i32, i32
  }
  func.func @oi_fn(%arg0: i32, %arg1: i32, %arg2: i32) -> (i32, i32, i32) {
    %c0_i32 = arith.constant 0 : i32
    return %arg0, %arg1, %c0_i32 : i32, i32, i32
  }
}

module attributes {stable_mosaic.version = 14 : i64} {
  func.func @_moe_kernel(%arg0: i32, %arg1: i32, %arg2: memref<2048x1024xf32, #tpu.memory_space<vmem>>, %arg3: memref<2048x8xf32, #tpu.memory_space<vmem>>, %arg4: memref<1x256x1024xf32, #tpu.memory_space<vmem>>, %arg5: memref<1x1x256xf32, #tpu.memory_space<vmem>>, %arg6: memref<1x1024x256xf32, #tpu.memory_space<vmem>>, %arg7: memref<1x1x1024xf32, #tpu.memory_space<vmem>>, %arg8: memref<1x1024xf32, #tpu.memory_space<vmem>>, %arg9: memref<1x1024xf32, #tpu.memory_space<vmem>>, %arg10: memref<2048x1024xf32, #tpu.memory_space<vmem>>, %arg11: memref<2048x1xf32, #tpu.memory_space<vmem>>) attributes {dimension_semantics = [#tpu.dimension_semantics<arbitrary>, #tpu.dimension_semantics<arbitrary>], iteration_bounds = array<i64: 1, 8>, scalar_prefetch = 0 : i64, scratch_operands = 0 : i64, tpu.core_type = #tpu.core_type<tc>, window_params = [{transform_indices = @transform_0, window_bounds = array<i64: 2048, 1024>}, {transform_indices = @transform_1, window_bounds = array<i64: 2048, 8>}, {transform_indices = @transform_2, window_bounds = array<i64: 1, 256, 1024>}, {transform_indices = @transform_3, window_bounds = array<i64: 1, 1, 256>}, {transform_indices = @transform_4, window_bounds = array<i64: 1, 1024, 256>}, {transform_indices = @transform_5, window_bounds = array<i64: 1, 1, 1024>}, {pipeline_mode = #tpu.pipeline_mode<synchronous>, transform_indices = @transform_6, window_bounds = array<i64: 1, 1024>}, {pipeline_mode = #tpu.pipeline_mode<synchronous>, transform_indices = @transform_7, window_bounds = array<i64: 1, 1024>}, {transform_indices = @transform_8, window_bounds = array<i64: 2048, 1024>}, {transform_indices = @transform_9, window_bounds = array<i64: 2048, 1>}]} {
    %iota3A = tpu.iota {dimensions = array<i32: 1>} : vector<2048x8xi32>
    %eq3A = vector.broadcast %arg1 : i32 to vector<2048x8xi32>
    %eq3A_0 = arith.cmpi eq, %iota3A, %eq3A : vector<2048x8xi32>
    %get3A = arith.constant 0 : index
    %get3A_1 = arith.constant 0 : index
    %get3A_2 = vector.load %arg3[%get3A, %get3A_1] : memref<2048x8xf32, #tpu.memory_space<vmem>>, vector<2048x8xf32>
    %jit3A = arith.constant 0.000000e+00 : f32
    %broadcast_in_dim3A = vector.broadcast %jit3A : f32 to vector<2048x8xf32>
    %select_n3A = arith.select %eq3A_0, %get3A_2, %broadcast_in_dim3A : vector<2048x8xi1>, vector<2048x8xf32>
    %reduce_sum3A = arith.constant dense<0.000000e+00> : vector<2048xf32>
    %reduce_sum3A_3 = vector.multi_reduction <add>, %select_n3A, %reduce_sum3A [1] : vector<2048x8xf32> to vector<2048xf32>
    %broadcast_in_dim3A_4 = vector.shape_cast %reduce_sum3A_3 : vector<2048xf32> to vector<2048x1xf32>
    %get3A_5 = arith.constant 0 : index
    %get3A_6 = arith.constant 0 : index
    %get3A_7 = vector.load %arg2[%get3A_5, %get3A_6] : memref<2048x1024xf32, #tpu.memory_space<vmem>>, vector<2048x1024xf32>
    %get3A_8 = arith.constant 0 : index
    %get3A_9 = arith.constant 0 : index
    %get3A_10 = arith.constant 0 : index
    %get3A_11 = vector.load %arg4[%get3A_8, %get3A_9, %get3A_10] : memref<1x256x1024xf32, #tpu.memory_space<vmem>>, vector<1x256x1024xf32>
    %get3A_12 = vector.shape_cast %get3A_11 : vector<1x256x1024xf32> to vector<256x1024xf32>
    %convert_element_type3A = arith.truncf %get3A_7 : vector<2048x1024xf32> to vector<2048x1024xbf16>
    %convert_element_type3A_13 = arith.truncf %get3A_12 : vector<256x1024xf32> to vector<256x1024xbf16>
    %dot_general3A = arith.constant dense<0.000000e+00> : vector<2048x256xf32>
    %dot_general3A_14 = tpu.matmul %convert_element_type3A, %convert_element_type3A_13, %dot_general3A {dimension_numbers = #tpu.dot_dimension_numbers<[1], [1], [0], [0], [0, 0, 1, 0], [], []>, transpose_lhs_hint = false} : vector<2048x1024xbf16>, vector<256x1024xbf16>, vector<2048x256xf32> -> vector<2048x256xf32>
    %get3A_15 = arith.constant 0 : index
    %get3A_16 = arith.constant 0 : index
    %get3A_17 = arith.constant 0 : index
    %get3A_18 = vector.load %arg5[%get3A_15, %get3A_16, %get3A_17] : memref<1x1x256xf32, #tpu.memory_space<vmem>>, vector<1x1x256xf32>
    %get3A_19 = vector.shape_cast %get3A_18 : vector<1x1x256xf32> to vector<1x256xf32>
    %add3A = vector.broadcast %get3A_19 : vector<1x256xf32> to vector<2048x256xf32>
    %add3A_20 = arith.addf %dot_general3A_14, %add3A : vector<2048x256xf32>
    %max3A = arith.constant 0.000000e+00 : f32
    %max3A_21 = vector.broadcast %max3A : f32 to vector<2048x256xf32>
    %max3A_22 = arith.maximumf %add3A_20, %max3A_21 : vector<2048x256xf32>
    %get3A_23 = arith.constant 0 : index
    %get3A_24 = arith.constant 0 : index
    %get3A_25 = arith.constant 0 : index
    %get3A_26 = vector.load %arg6[%get3A_23, %get3A_24, %get3A_25] : memref<1x1024x256xf32, #tpu.memory_space<vmem>>, vector<1x1024x256xf32>
    %get3A_27 = vector.shape_cast %get3A_26 : vector<1x1024x256xf32> to vector<1024x256xf32>
    %convert_element_type3A_28 = arith.truncf %max3A_22 : vector<2048x256xf32> to vector<2048x256xbf16>
    %convert_element_type3A_29 = arith.truncf %get3A_27 : vector<1024x256xf32> to vector<1024x256xbf16>
    %dot_general3A_30 = arith.constant dense<0.000000e+00> : vector<2048x1024xf32>
    %dot_general3A_31 = tpu.matmul %convert_element_type3A_28, %convert_element_type3A_29, %dot_general3A_30 {dimension_numbers = #tpu.dot_dimension_numbers<[1], [1], [0], [0], [0, 0, 1, 0], [], []>, transpose_lhs_hint = false} : vector<2048x256xbf16>, vector<1024x256xbf16>, vector<2048x1024xf32> -> vector<2048x1024xf32>
    %get3A_32 = arith.constant 0 : index
    %get3A_33 = arith.constant 0 : index
    %get3A_34 = arith.constant 0 : index
    %get3A_35 = vector.load %arg7[%get3A_32, %get3A_33, %get3A_34] : memref<1x1x1024xf32, #tpu.memory_space<vmem>>, vector<1x1x1024xf32>
    %get3A_36 = vector.shape_cast %get3A_35 : vector<1x1x1024xf32> to vector<1x1024xf32>
    %add3A_37 = vector.broadcast %get3A_36 : vector<1x1024xf32> to vector<2048x1024xf32>
    %add3A_38 = arith.addf %dot_general3A_31, %add3A_37 : vector<2048x1024xf32>
    %mul3A = vector.broadcast %broadcast_in_dim3A_4 : vector<2048x1xf32> to vector<2048x1024xf32>
    %mul3A_39 = arith.mulf %add3A_38, %mul3A : vector<2048x1024xf32>
    %eq3A_40 = arith.constant 0 : i32
    %eq3A_41 = arith.cmpi eq, %arg1, %eq3A_40 : i32
    %convert_element_type3A_42 = arith.extui %eq3A_41 : i1 to i32
    %cond3A = arith.constant 0 : i32
    %cond3A_43 = arith.cmpi ne, %convert_element_type3A_42, %cond3A : i32
    scf.if %cond3A_43 {
      %swap3A = arith.constant 0 : index
      %swap3A_54 = arith.constant 0 : index
      %swap3A_55 = vector.load %arg10[%swap3A, %swap3A_54] : memref<2048x1024xf32, #tpu.memory_space<vmem>>, vector<2048x1024xf32>
      tpu.vector_store %arg10[%swap3A, %swap3A_54], %mul3A_39 {strides = array<i32>} : memref<2048x1024xf32, #tpu.memory_space<vmem>>, vector<2048x1024xf32>,
      %broadcast_in_dim3A_56 = arith.constant 4.8828125E-4 : f32
      %broadcast_in_dim3A_57 = vector.broadcast %broadcast_in_dim3A_56 : f32 to vector<2048x1xf32>
      %swap3A_58 = arith.constant 0 : index
      %swap3A_59 = arith.constant 0 : index
      %swap3A_60 = vector.load %arg11[%swap3A_58, %swap3A_59] : memref<2048x1xf32, #tpu.memory_space<vmem>>, vector<2048x1xf32>
      tpu.vector_store %arg11[%swap3A_58, %swap3A_59], %broadcast_in_dim3A_57 {strides = array<i32>} : memref<2048x1xf32, #tpu.memory_space<vmem>>, vector<2048x1xf32>,
    } else {
    }
    %gt3A = arith.constant 0 : i32
    %gt3A_44 = arith.cmpi sgt, %arg1, %gt3A : i32
    %lt3A = arith.constant 7 : i32
    %lt3A_45 = arith.cmpi slt, %arg1, %lt3A : i32
    %and3A = arith.andi %gt3A_44, %lt3A_45 : i1
    %convert_element_type3A_46 = arith.extui %and3A : i1 to i32
    %cond3A_47 = arith.constant 0 : i32
    %cond3A_48 = arith.cmpi ne, %convert_element_type3A_46, %cond3A_47 : i32
    scf.if %cond3A_48 {
      %get3A_54 = arith.constant 0 : index
      %get3A_55 = arith.constant 0 : index
      %get3A_56 = vector.load %arg10[%get3A_54, %get3A_55] : memref<2048x1024xf32, #tpu.memory_space<vmem>>, vector<2048x1024xf32>
      %add3A_57 = arith.addf %get3A_56, %mul3A_39 : vector<2048x1024xf32>
      %swap3A = arith.constant 0 : index
      %swap3A_58 = arith.constant 0 : index
      %swap3A_59 = vector.load %arg10[%swap3A, %swap3A_58] : memref<2048x1024xf32, #tpu.memory_space<vmem>>, vector<2048x1024xf32>
      tpu.vector_store %arg10[%swap3A, %swap3A_58], %add3A_57 {strides = array<i32>} : memref<2048x1024xf32, #tpu.memory_space<vmem>>, vector<2048x1024xf32>,
    } else {
    }
    %eq3A_49 = arith.constant 7 : i32
    %eq3A_50 = arith.cmpi eq, %arg1, %eq3A_49 : i32
    %convert_element_type3A_51 = arith.extui %eq3A_50 : i1 to i32
    %cond3A_52 = arith.constant 0 : i32
    %cond3A_53 = arith.cmpi ne, %convert_element_type3A_51, %cond3A_52 : i32
    scf.if %cond3A_53 {
      %get3A_54 = arith.constant 0 : index
      %get3A_55 = arith.constant 0 : index
      %get3A_56 = vector.load %arg10[%get3A_54, %get3A_55] : memref<2048x1024xf32, #tpu.memory_space<vmem>>, vector<2048x1024xf32>
      %add3A_57 = arith.addf %get3A_56, %mul3A_39 : vector<2048x1024xf32>
      %reduce_sum3A_58 = arith.constant dense<0.000000e+00> : vector<2048xf32>
      %reduce_sum3A_59 = vector.multi_reduction <add>, %add3A_57, %reduce_sum3A_58 [1] : vector<2048x1024xf32> to vector<2048xf32>
      %broadcast_in_dim3A_60 = vector.shape_cast %reduce_sum3A_59 : vector<2048xf32> to vector<2048x1xf32>
      %div3A = arith.constant 1.024000e+03 : f32
      %div3A_61 = vector.broadcast %div3A : f32 to vector<2048x1xf32>
      %div3A_62 = arith.divf %broadcast_in_dim3A_60, %div3A_61 : vector<2048x1xf32>
      %sub3A = vector.broadcast %div3A_62 : vector<2048x1xf32> to vector<2048x1024xf32>
      %sub3A_63 = arith.subf %add3A_57, %sub3A : vector<2048x1024xf32>
      %integer_pow3A = arith.mulf %sub3A_63, %sub3A_63 : vector<2048x1024xf32>
      %reduce_sum3A_64 = arith.constant dense<0.000000e+00> : vector<2048xf32>
      %reduce_sum3A_65 = vector.multi_reduction <add>, %integer_pow3A, %reduce_sum3A_64 [1] : vector<2048x1024xf32> to vector<2048xf32>
      %broadcast_in_dim3A_66 = vector.shape_cast %reduce_sum3A_65 : vector<2048xf32> to vector<2048x1xf32>
      %div3A_67 = arith.constant 1.024000e+03 : f32
      %div3A_68 = vector.broadcast %div3A_67 : f32 to vector<2048x1xf32>
      %div3A_69 = arith.divf %broadcast_in_dim3A_66, %div3A_68 : vector<2048x1xf32>
      %sub3A_70 = vector.broadcast %div3A_62 : vector<2048x1xf32> to vector<2048x1024xf32>
      %sub3A_71 = arith.subf %add3A_57, %sub3A_70 : vector<2048x1024xf32>
      %add3A_72 = arith.constant 9.99999974E-6 : f32
      %add3A_73 = vector.broadcast %add3A_72 : f32 to vector<2048x1xf32>
      %add3A_74 = arith.addf %div3A_69, %add3A_73 : vector<2048x1xf32>
      %sqrt3A = math.sqrt %add3A_74 : vector<2048x1xf32>
      %div3A_75 = vector.broadcast %sqrt3A : vector<2048x1xf32> to vector<2048x1024xf32>
      %div3A_76 = arith.divf %sub3A_71, %div3A_75 : vector<2048x1024xf32>
      %get3A_77 = arith.constant 0 : index
      %get3A_78 = arith.constant 0 : index
      %get3A_79 = vector.load %arg8[%get3A_77, %get3A_78] : memref<1x1024xf32, #tpu.memory_space<vmem>>, vector<1x1024xf32>
      %mul3A_80 = vector.broadcast %get3A_79 : vector<1x1024xf32> to vector<2048x1024xf32>
      %mul3A_81 = arith.mulf %div3A_76, %mul3A_80 : vector<2048x1024xf32>
      %get3A_82 = arith.constant 0 : index
      %get3A_83 = arith.constant 0 : index
      %get3A_84 = vector.load %arg9[%get3A_82, %get3A_83] : memref<1x1024xf32, #tpu.memory_space<vmem>>, vector<1x1024xf32>
      %add3A_85 = vector.broadcast %get3A_84 : vector<1x1024xf32> to vector<2048x1024xf32>
      %add3A_86 = arith.addf %mul3A_81, %add3A_85 : vector<2048x1024xf32>
      %mul3A_87 = arith.constant 4.8828125E-4 : f32
      %mul3A_88 = vector.broadcast %mul3A_87 : f32 to vector<2048x1024xf32>
      %mul3A_89 = arith.mulf %add3A_86, %mul3A_88 : vector<2048x1024xf32>
      %swap3A = arith.constant 0 : index
      %swap3A_90 = arith.constant 0 : index
      %swap3A_91 = vector.load %arg10[%swap3A, %swap3A_90] : memref<2048x1024xf32, #tpu.memory_space<vmem>>, vector<2048x1024xf32>
      tpu.vector_store %arg10[%swap3A, %swap3A_90], %mul3A_89 {strides = array<i32>} : memref<2048x1024xf32, #tpu.memory_space<vmem>>, vector<2048x1024xf32>,
    } else {
    }
    return
  }
  func.func @transform_0(%arg0: i32, %arg1: i32) -> (i32, i32) {
    %c0_i32 = arith.constant 0 : i32
    %c0_i32_0 = arith.constant 0 : i32
    return %arg0, %c0_i32 : i32, i32
  }
  func.func @transform_1(%arg0: i32, %arg1: i32) -> (i32, i32) {
    %c0_i32 = arith.constant 0 : i32
    %c0_i32_0 = arith.constant 0 : i32
    return %arg0, %c0_i32 : i32, i32
  }
  func.func @transform_2(%arg0: i32, %arg1: i32) -> (i32, i32, i32) {
    %c0_i32 = arith.constant 0 : i32
    %c0_i32_0 = arith.constant 0 : i32
    %c0_i32_1 = arith.constant 0 : i32
    return %arg1, %c0_i32, %c0_i32_0 : i32, i32, i32
  }
  func.func @transform_3(%arg0: i32, %arg1: i32) -> (i32, i32, i32) {
    %c0_i32 = arith.constant 0 : i32
    %c0_i32_0 = arith.constant 0 : i32
    %c0_i32_1 = arith.constant 0 : i32
    return %arg1, %c0_i32, %c0_i32_0 : i32, i32, i32
  }
  func.func @transform_4(%arg0: i32, %arg1: i32) -> (i32, i32, i32) {
    %c0_i32 = arith.constant 0 : i32
    %c0_i32_0 = arith.constant 0 : i32
    %c0_i32_1 = arith.constant 0 : i32
    return %arg1, %c0_i32, %c0_i32_0 : i32, i32, i32
  }
  func.func @transform_5(%arg0: i32, %arg1: i32) -> (i32, i32, i32) {
    %c0_i32 = arith.constant 0 : i32
    %c0_i32_0 = arith.constant 0 : i32
    %c0_i32_1 = arith.constant 0 : i32
    return %arg1, %c0_i32, %c0_i32_0 : i32, i32, i32
  }
  func.func @transform_6(%arg0: i32, %arg1: i32) -> (i32, i32) {
    %c0_i32 = arith.constant 0 : i32
    %c0_i32_0 = arith.constant 0 : i32
    %c0_i32_1 = arith.constant 0 : i32
    return %c0_i32, %c0_i32_0 : i32, i32
  }
  func.func @transform_7(%arg0: i32, %arg1: i32) -> (i32, i32) {
    %c0_i32 = arith.constant 0 : i32
    %c0_i32_0 = arith.constant 0 : i32
    %c0_i32_1 = arith.constant 0 : i32
    return %c0_i32, %c0_i32_0 : i32, i32
  }
  func.func @transform_8(%arg0: i32, %arg1: i32) -> (i32, i32) {
    %c0_i32 = arith.constant 0 : i32
    %c0_i32_0 = arith.constant 0 : i32
    return %arg0, %c0_i32 : i32, i32
  }
  func.func @transform_9(%arg0: i32, %arg1: i32) -> (i32, i32) {
    %c0_i32 = arith.constant 0 : i32
    %c0_i32_0 = arith.constant 0 : i32
    return %arg0, %c0_i32 : i32, i32
  }
}

</mosaic_0001>

<sc_bundles>
// kernel: kernel.4.cloned.1.call-start
scs
__scs_entry_jumppad:
0x0: {  	(pc) =	sbr.rel $0x88, $3  }
0x1: {  	(tag) =	ssettag $0x0;
	lr =	simm.s32 $0x1  }
0x2: {  	[smem:$0x3F92] =	sst lr;
	_ =	strace $0xD0000000  }
0x3: {  	_ = 	snop  }
0x4: {  	_ = 	snop  }
0x5: {  	_ = 	snop  }
0x6: {  	_ = 	snop  }
0x7: {  	_ = 	snop  }
__scs_overlays_trampoline_lowered:
0x8: {  	[smem:$0x3FA1] =	sst s0  }
0x9: {  	[smem:$0x3FA2] =	sst s1  }
0xa: {  	[smem:$0x3FA3] =	sst s2  }
0xb: {  	[smem:$0x3FA4] =	sst s3  }
0xc: {  	[smem:$0x3FA5] =	sst s4  }
0xd: {  	[smem:$0x3FA6] =	sst s5  }
0xe: {  	[smem:$0x3FA7] =	sst s6  }
0xf: {  	[smem:$0x3FA8] =	sst s7  }
0x10: {  	[smem:$0x3FA9] =	sst s8  }
0x11: {  	[smem:$0x3FAA] =	sst s9;
	s0 =	simm.s32 @!p0 $0x0  }
0x12: {  	s1 =	sld [smem:$0x3F90];
	s0 =	simm.s32 @p0 $0x1  }
0x13: {  	[smem:$0x3FAB] =	sst s0;
	s0 =	simm.s32 @!p1 $0x0  }
0x14: {  	s2 =	sld [smem:$0x3F8F];
	s0 =	simm.s32 @p1 $0x1  }
0x15: {  	[smem:$0x3FAC] =	sst s0;
	s0 =	simm.s32 @!p2 $0x0  }
0x16: {  	s3 =	sld [smem:$0x3FDB];
	s0 =	simm.s32 @p2 $0x1  }
0x17: {  	s4 =	simm.s32 $0x1BF5;
	[smem:$0x3FAE] =	sst s0  }
0x18: {  	s0 =	sld [smem:$0x3F91];
	_ =	swait.ge [sflag:s4], $0x0  }
0x19: {  	s7 =	sld [smem:$0x3F92]  }
0x1a: {  	s8 =	sadd.s32 $0xFFFFE003, lr  }
0x1b: {  	s9 =	sadd.s32 $0xFFFFFEF7, lr;
	s5 =	simm.s32 $0xFFFFFFFF;
	p2 =	slt.u32 s8, $0xFFFFF086  }
0x1c: {  	p1 =	slt.u32 s9, $0xF7A;
	s5 =	simm.s32 @!p2 $0x0  }
0x1d: {  	s5 =	simm.s32 @p1 $0x1;
	p0 =	seq.s32 s7, s2  }
0x1e: {  	s7 =	smul.u32 @!p0 $0xF7A, s2;
	p2 =	seq.s32 @!p0 s5, $0x0  }
0x1f: {  	s9 =	smul.u32 $0xF7A, s1;
	s8 =	simm.s32 @!p0 $0x1BF5;
	p2 =	por !p2, p0  }
0x20: {  	[sflag:s8] =	ssyncset.s32 @!p0 $0xFFFFF086;
	s6 =	sadd.s32 @!p0 s3, s7;
	s7 =	simm.s32 @!p0 $0x108  }
0x21: {  	s3 =	sadd.s32 s3, s9;
	s6 =	sadd.s32 @!p0 $0x88, s6;
	s7 =	simm.s32 @p2 $0x1082  }
0x22: {  	[simem:s7], [sflag:s8] =	dma.local @!p0 [hbm:s6], $0xF7A  }
0x23: {  	s9 =	sor.u32 $0xD0000000, s2;
	s6 =	simm.s32 $0x108;
	_ =	swait.ge @!p0 [sflag:s8], $0x0  }
0x24: {  	s3 =	sadd.s32 $0x88, s3;
	s6 =	simm.s32 @!p1 $0x1082;
	[sflag:s4] =	ssyncset.s32 $0xFFFFF086  }
0x25: {  	[simem:s6], [sflag:s4] =	dma.local [hbm:s3], $0xF7A  }
0x26: {  	[smem:$0x3F92] =	sst s1;
	(tag) =	ssettag s2;
	_ =	strace s9  }
0x27: {  	s1 =	sld [smem:$0x3FA2]  }
0x28: {  	s2 =	sld [smem:$0x3FA3]  }
0x29: {  	s4 =	sld [smem:$0x3FA5]  }
0x2a: {  	p0 =	seq.s32 s5, $0x0;
	s5 =	sld [smem:$0x3FA6]  }
0x2b: {  	s6 =	sld [smem:$0x3FA7]  }
0x2c: {  	s7 =	sld [smem:$0x3FA8]  }
0x2d: {  	s3 =	simm.s32 $0x108;
	s8 =	sld [smem:$0x3FA9]  }
0x2e: {  	s3 =	simm.s32 @!p0 $0x1082;
	s9 =	sld [smem:$0x3FAA]  }
0x2f: {  	lr =	sadd.s32 s0, s3;
	s0 =	sld [smem:$0x3FA1]  }
0x30: {  	s3 =	sld [smem:$0x3FA4]  }
0x31: {  	[smem:$0x3FAD] =	sst s10  }
0x32: {  	s10 =	sld [smem:$0x3FAB];
	_ =	sdelay $0x3  }
0x33: {  	p0 =	seq.s32 s10, $0x1;
	s10 =	sld [smem:$0x3FAD];
	_ =	sdelay $0x3  }
0x34: {  	[smem:$0x3FAD] =	sst s10  }
0x35: {  	s10 =	sld [smem:$0x3FAC];
	_ =	sdelay $0x3  }
0x36: {  	p1 =	seq.s32 s10, $0x1;
	s10 =	sld [smem:$0x3FAD];
	_ =	sdelay $0x3  }
0x37: {  	[smem:$0x3FAD] =	sst s10  }
0x38: {  	s10 =	sld [smem:$0x3FAE]  }
0x39: {  	_ = 	snop;
	(pc) =	sbr.ind lr, $3  }
0x3a: {  	_ = 	snop  }
0x3b: {  	_ = 	snop  }
0x3c: {  	p2 =	seq.s32 s10, $0x1;
	s10 =	sld [smem:$0x3FAD]  }
0x3d: {  	_ =	shalt  }
0x3e: {  	_ =	shalt  }
0x3f: {  	_ =	shalt  }
0x40: {  	_ =	shalt  }
0x41: {  	_ =	shalt  }
0x42: {  	_ =	shalt  }
0x43: {  	_ =	shalt  }
0x44: {  	_ =	shalt  }
0x45: {  	_ =	shalt  }
0x46: {  	_ =	shalt  }
0x47: {  	_ =	shalt  }
0x48: {  	_ =	shalt  }
0x49: {  	_ =	shalt  }
0x4a: {  	_ =	shalt  }
0x4b: {  	_ =	shalt  }
0x4c: {  	_ =	shalt  }
0x4d: {  	_ =	shalt  }
0x4e: {  	_ =	shalt  }
0x4f: {  	_ =	shalt  }
0x50: {  	_ =	shalt  }
0x51: {  	_ =	shalt  }
0x52: {  	_ =	shalt  }
0x53: {  	_ =	shalt  }
0x54: {  	_ =	shalt  }
0x55: {  	_ =	shalt  }
0x56: {  	_ =	shalt  }
0x57: {  	_ =	shalt  }
0x58: {  	_ =	shalt  }
0x59: {  	_ =	shalt  }
0x5a: {  	_ =	shalt  }
0x5b: {  	_ =	shalt  }
0x5c: {  	_ =	shalt  }
0x5d: {  	_ =	shalt  }
0x5e: {  	_ =	shalt  }
0x5f: {  	_ =	shalt  }
0x60: {  	_ =	shalt  }
0x61: {  	_ =	shalt  }
0x62: {  	_ =	shalt  }
0x63: {  	_ =	shalt  }
0x64: {  	_ =	shalt  }
0x65: {  	_ =	shalt  }
0x66: {  	_ =	shalt  }
0x67: {  	_ =	shalt  }
0x68: {  	_ =	shalt  }
0x69: {  	_ =	shalt  }
0x6a: {  	_ =	shalt  }
0x6b: {  	_ =	shalt  }
0x6c: {  	_ =	shalt  }
0x6d: {  	_ =	shalt  }
0x6e: {  	_ =	shalt  }
0x6f: {  	_ =	shalt  }
0x70: {  	_ =	shalt  }
0x71: {  	_ =	shalt  }
0x72: {  	_ =	shalt  }
0x73: {  	_ =	shalt  }
0x74: {  	_ =	shalt  }
0x75: {  	_ =	shalt  }
0x76: {  	_ =	shalt  }
0x77: {  	_ =	shalt  }
0x78: {  	_ =	shalt  }
0x79: {  	_ =	shalt  }
0x7a: {  	_ =	shalt  }
0x7b: {  	_ =	shalt  }
0x7c: {  	_ =	shalt  }
0x7d: {  	_ =	shalt  }
0x7e: {  	_ =	shalt  }
0x7f: {  	_ =	shalt  }
0x80: {  	_ =	shalt  }
0x81: {  	_ =	shalt  }
0x82: {  	_ =	shalt  }
0x83: {  	_ =	shalt  }
0x84: {  	_ =	shalt  }
0x85: {  	_ =	shalt  }
0x86: {  	_ =	shalt  }
0x87: {  	_ =	shalt  }
.Lfunc_end0:
.L_simem_size_0:
called_computation_lowered:
.L_overlay_start_0:
0x88: {  	s2 =	sld [smem:$0x3FD9]  }
0x89: {  	s3 =	sld [smem:$0x3FFE];
	_ =	sdelay $0x1  }
0x8a: {  	s1 =	srdreg.scid  }
0x8b: {  	s0 =	sand.u32 $0x1, s1  }
0x8c: {  	s14 =	sshll.u32 s0, $0xA;
	s2 =	sadd.s32 s3, s2  }
0x8d: {  	s2 =	sadd.s32 s2, s14  }
0x8e: {  	[smem:$0x3FB9] =	sst s2  }
0x8f: {  	_ = 	snop  }
0x90: {  	s2 =	sld [smem:$0x3FD0];
	_ =	sdelay $0x2  }
0x91: {  	s15 =	simm.s32 $0xA;
	s4 =	simm.s32 $0x10  }
0x92: {  	[smem:s4], [sflag:s15] =	dma.local [hbm:s2], $0x1  }
0x93: {  	_ =	swait.eq [sflag:s15], $0x1  }
0x94: {  	[sflag:s15] =	ssyncset.done $0x0  }
0x95: {  	[sflag:s15] =	ssyncadd.s32 $0xFFFFFFFF  }
0x96: {  	s16 =	sld [smem:$0x10];
	(tm) =	ssettm $0x1  }
0x97: {  	s17 =	sld [smem:$0x3FFB];
	_ =	sdelay $0x3  }
0x98: {  	_ =	strace s17  }
0x99: {  	s3 =	sld [smem:$0x3FFC];
	_ =	sdelay $0x3  }
0x9a: {  	_ =	strace s3  }
0x9b: {  	s3 =	sld [smem:$0x3FFD];
	_ =	sdelay $0x3  }
0x9c: {  	_ =	strace s3  }
0x9d: {  	_ =	strace $0x8FFFFFFF  }
0x9e: {  	s18 =	sld [smem:$0x3FDB];
	_ =	sdelay $0x1  }
0x9f: {  	s19 =	simm.s32 $_scs_section_size  }
0xa0: {  	s5 =	simm.s32 $_size__tile_overlayer_lowered;
	s6 =	simm.s32 $_tile_overlayer_lowered  }
0xa1: {  	s22 =	simm.s32 $0x1BFF;
	s21 =	sshll.u32 s6, $0x1;
	s3 =	sadd.s32 s19, s18  }
0xa2: {  	s7 =	simm.s32 $0x0;
	s20 =	sshll.u32 s5, $0x1;
	s5 =	sadd.s32 s21, s3  }
0xa3: {  	[timem:s7], [sflag:s22] =	dma.local [hbm:s5], s20  }
0xa4: {  	_ =	swait.ge [sflag:s22], s20  }
0xa5: {  	s4 =	ssub.s32 $0x0, s20;
	[sflag:s22] =	ssyncset.done $0x0  }
0xa6: {  	[sflag:s22] =	ssyncadd.s32 s4;
	_ =	sdelay $0x1  }
0xa7: {  	s23 =	simm.s32 $0x1B8B  }
0xa8: {  	_ =	swait.ge [sflag:s23], $0x1  }
0xa9: {  	[sflag:s23] =	ssyncset.done $0x0  }
0xaa: {  	s25 =	simm.s32 $0x1B8E;
	s24 =	sld [smem:$0x3FFE];
	[sflag:s23] =	ssyncadd.s32 $0xFFFFFFFF  }
0xab: {  	s26 =	simm.s32 $execute0_lowered;
	[smem:$0x3FD2] =	sst s25  }
0xac: {  	s5 =	sshll.u32 s26, $0x1;
	_ =	strace $0x80000046;
	[dreg:$0x1] =	wrdreg $0xFFFFFFFF  }
0xad: {  	s28 =	simm.s32 $_size_execute0_lowered;
	s3 =	sadd.s32 s3, s5;
	[dreg:$0x0] =	wrdreg $0x0  }
0xae: {  	s5 =	sshll.u32 s28, $0x1;
	[dreg:$0x2] =	wrdreg s3  }
0xaf: {  	[dreg:$0x3] =	wrdreg s5  }
0xb0: {  	[dreg:$0x4] =	wrdreg $0xC0  }
0xb1: {  	_ =	task [dreg:s7], $0x5FFFF  }
0xb2: {  	[dreg:$0x1] =	wrdreg $0xFFFFFFFF  }
0xb3: {  	[dreg:$0x0] =	wrdreg $0x60  }
0xb4: {  	[dreg:$0x2] =	wrdreg s16  }
0xb5: {  	[dreg:$0x3] =	wrdreg s24  }
0xb6: {  	[dreg:$0x4] =	wrdreg $0x9  }
0xb7: {  	_ =	task.clear_ibuf [dreg:s7], $0x5FFFF;
	_ =	strace $0x90000046  }
0xb8: {  	s29 =	simm.s32 $0x9;
	_ =	strace $0x80000048  }
0xb9: {  	_ =	swait.ge [sflag:s29], $0x1  }
0xba: {  	[sflag:s29] =	ssyncadd.s32 $0xFFFFFFFF  }
0xbb: {  	_ =	strace $0x90000048  }
0xbc: {  	_ =	sfence  }
0xbd: {  	s30 =	sld [smem:$0x0];
	_ =	sdelay $0x2  }
0xbe: {  	s31 =	sshll.u32 s1, $0xD;
	s1 =	sshrl.u32 s1, $0x2  }
0xbf: {  	s3 =	sand.u32 $0x4000, s31;
	s1 =	sadd.s32 s1, s30  }
0xc0: {  	s0 =	sor.u32 s3, s0;
	s1 =	sshll.u32 s1, $0x11  }
0xc1: {  	s0 =	sor.u32 s1, s0  }
0xc2: {  	s0 =	sadd.s32 $0x8F2B, s0  }
0xc3: {  	[sflag:s0] =	ssyncadd.remote.s32 $0x1  }
0xc4: {  	_ =	sfence.sel $0xFFFF  }
0xc5: {  	[dreg:$0x0] =	wrdreg $0xFFFFFFFF;
	(pc) =	sbr.abs _section_cstart, $3  }
0xc6: {  	[dreg:$0x1] =	wrdreg $0xFFFFFFFF  }
0xc7: {  	_ =	task.clear_ibuf [dreg:s7], $0x2FFFF;
	_ =	strace $0x9FFFFFFF  }
0xc8: {  	(tm) =	ssettm $0x7FFFFFFF  }
0xc9: {  	_ =	shalt  }
tec
execute0_lowered:
.L_overlay_start_1:
0x0: {  	(tag) =	ssettag $0x1  }
0x1: {  	s0 =	rddreg [dreg:$0x0]  }
0x2: {  	s3 =	rddreg [dreg:$0x1]  }
0x3: {  	s2 =	simm.s32 $0x0;
	s4 =	srdreg.scid;
	s1 =	stileid.u32  }
0x4: {  	s17 =	simm.s32 $0x40;
	s18 =	simm.s32 $0x80;
	s19 =	simm.s32 $0xC0  }
0x5: {  	s20 =	simm.s32 $0x100;
	s21 =	simm.s32 $0x140;
	s28 =	simm.s32 $0x2C0  }
0x6: {  	s29 =	simm.s32 $0x300;
	s30 =	simm.s32 $0x340;
	s31 =	simm.s32 $0x380  }
0x7: {  	[smem:$0x7FF] =	sst s2;
	s4 =	sand.u32 $0x1, s4;
	s6 =	sshll.u32 s1, $0x4  }
0x8: {  	s14 =	sadd.s32 $0x1C00, s3;
	s5 =	ssub.s32 $0x2, s4;
	s4 =	sshll.u32 s4, $0x3  }
0x9: {  	_ =	strace $0x80000047;
	s22 =	sshrl.u32 s5, $0x1;
	s7 =	sor.u32 s4, s6  }
0xa: {  	s15 =	ssub.s32 s5, s22;
	s23 =	sadd.s32 s0, s7;
	s8 =	sor.u32 $0x100, s7  }
0xb: {  	s9 =	sor.u32 $0x200, s7;
	s10 =	sor.u32 $0x300, s7;
	s11 =	sor.u32 $0x400, s7  }
0xc: {  	s12 =	sor.u32 $0x500, s7;
	s13 =	sor.u32 $0x600, s7;
	s16 =	sor.u32 $0x700, s7  }
0xd: {  	s7 =	sadd.s32 s14, s7;
	s22 =	simm.s32 $0x180;
	[dreg:$0x3] =	wrdreg s23  }
0xe: {  	s24 =	sadd.s32 s0, s8;
	s25 =	sadd.s32 s0, s9;
	s26 =	sadd.s32 s0, s10  }
0xf: {  	s3 =	sadd.s32 s0, s11;
	s4 =	sadd.s32 s0, s12;
	s5 =	sadd.s32 s0, s13  }
0x10: {  	s6 =	sadd.s32 s0, s16;
	s8 =	sadd.s32 s14, s8;
	s9 =	sadd.s32 s14, s9  }
0x11: {  	s10 =	sadd.s32 s14, s10;
	s11 =	sadd.s32 s14, s11;
	s12 =	sadd.s32 s14, s12  }
0x12: {  	s13 =	sadd.s32 s14, s13;
	s14 =	sadd.s32 s14, s16;
	[dreg:$0x4] =	wrdreg s24  }
0x13: {  	s15 =	smax.u32 s15, $0x1;
	s16 =	simm.s32 $0x1;
	[dreg:$0x5] =	wrdreg s25  }
0x14: {  	s23 =	simm.s32 $0x1C0;
	s0 =	simm.s32 $0x3C0;
	[dreg:$0x6] =	wrdreg s26  }
0x15: {  	v0 =	vimm.s32 $0x7;
	s24 =	simm.s32 $0x200;
	s25 =	simm.s32 $0x240;
	s26 =	simm.s32 $0x280  }
.LBB2_1:
0x16: {  	s1 =	rddreg [dreg:$0x3]  }
0x17: {  	[tilespmem:s2], [sflag:$0x1] =	stream.linear.gather [hbm4b:s1+s2], $0x40, $0x38;
	[tilespmem:$0x400] =	vst v63  }
0x18: {  	_ =	swait.ge [sflag:s16], $0x40  }
0x19: {  	[sflag:s16] =	ssyncset.done $0x0  }
0x1a: {  	s1 =	rddreg [dreg:$0x4];
	[sflag:s16] =	ssyncadd.s32 $0xFFFFFFC0  }
0x1b: {  	[tilespmem:s17], [sflag:$0x1] =	stream.linear.gather [hbm4b:s1+s2], $0x40, $0x38;
	[tilespmem:$0x400] =	vst v63  }
0x1c: {  	_ =	swait.ge [sflag:s16], $0x40  }
0x1d: {  	[sflag:s16] =	ssyncset.done $0x0  }
0x1e: {  	s1 =	rddreg [dreg:$0x5];
	[sflag:s16] =	ssyncadd.s32 $0xFFFFFFC0  }
0x1f: {  	[tilespmem:s18], [sflag:$0x1] =	stream.linear.gather [hbm4b:s1+s2], $0x40, $0x38;
	[tilespmem:$0x400] =	vst v63  }
0x20: {  	_ =	swait.ge [sflag:s16], $0x40  }
0x21: {  	[sflag:s16] =	ssyncset.done $0x0  }
0x22: {  	s1 =	rddreg [dreg:$0x6];
	[sflag:s16] =	ssyncadd.s32 $0xFFFFFFC0  }
0x23: {  	[tilespmem:s19], [sflag:$0x1] =	stream.linear.gather [hbm4b:s1+s2], $0x40, $0x38;
	[tilespmem:$0x400] =	vst v63  }
0x24: {  	_ =	swait.ge [sflag:s16], $0x40  }
0x25: {  	[sflag:s16] =	ssyncset.done $0x0  }
0x26: {  	[sflag:s16] =	ssyncadd.s32 $0xFFFFFFC0  }
0x27: {  	[tilespmem:s20], [sflag:$0x1] =	stream.linear.gather [hbm4b:s3+s2], $0x40, $0x38;
	[tilespmem:$0x400] =	vst v63  }
0x28: {  	_ =	swait.ge [sflag:s16], $0x40  }
0x29: {  	[sflag:s16] =	ssyncset.done $0x0  }
0x2a: {  	[sflag:s16] =	ssyncadd.s32 $0xFFFFFFC0  }
0x2b: {  	[tilespmem:s21], [sflag:$0x1] =	stream.linear.gather [hbm4b:s4+s2], $0x40, $0x38;
	[tilespmem:$0x400] =	vst v63  }
0x2c: {  	_ =	swait.ge [sflag:s16], $0x40  }
0x2d: {  	[sflag:s16] =	ssyncset.done $0x0  }
0x2e: {  	[sflag:s16] =	ssyncadd.s32 $0xFFFFFFC0  }
0x2f: {  	[tilespmem:s22], [sflag:$0x1] =	stream.linear.gather [hbm4b:s5+s2], $0x40, $0x38;
	[tilespmem:$0x400] =	vst v63  }
0x30: {  	_ =	swait.ge [sflag:s16], $0x40  }
0x31: {  	[sflag:s16] =	ssyncset.done $0x0  }
0x32: {  	[sflag:s16] =	ssyncadd.s32 $0xFFFFFFC0  }
0x33: {  	[tilespmem:s23], [sflag:$0x1] =	stream.linear.gather [hbm4b:s6+s2], $0x40, $0x38;
	[tilespmem:$0x400] =	vst v63  }
0x34: {  	_ =	swait.ge [sflag:s16], $0x40  }
0x35: {  	[sflag:s16] =	ssyncset.done $0x0  }
0x36: {  	[sflag:s16] =	ssyncadd.s32 $0xFFFFFFC0  }
0x37: {  	v1 =	vld [tilespmem:$0x0]  }
0x38: {  	v2 =	vld [tilespmem:$0x40]  }
0x39: {  	v3 =	vld [tilespmem:$0x80]  }
0x3a: {  	v4 =	vld [tilespmem:$0xC0]  }
0x3b: {  	v5 =	vld [tilespmem:$0x100]  }
0x3c: {  	v6 =	vld [tilespmem:$0x140]  }
0x3d: {  	v7 =	vld [tilespmem:$0x180];
	v8 =	vmax.f32 v1, v2  }
0x3e: {  	v9 =	vld [tilespmem:$0x1C0];
	v8 =	vmax.f32 v8, v3  }
0x3f: {  	v8 =	vmax.f32 v8, v4  }
0x40: {  	v8 =	vmax.f32 v8, v5  }
0x41: {  	v8 =	vmax.f32 v8, v6  }
0x42: {  	v8 =	vmax.f32 v8, v7  }
0x43: {  	v8 =	vmax.f32 v8, v9  }
0x44: {  	v1 =	vsub.f32 v1, v8  }
0x45: {  	v2 =	vsub.f32 v2, v8  }
0x46: {  	v1 =	vmul.f32 $1.442695020e+00, v1  }
0x47: {  	v3 =	vsub.f32 v3, v8;
	v2 =	vmul.f32 $1.442695020e+00, v2  }
0x48: {  	(erf) = vpow2.f32 v1  }
0x49: {  	v1 =	vmul.f32 $1.442695020e+00, v3;
	(erf) = vpow2.f32 v2;
	v2 =	vsub.f32 v4, v8;
	_ =	sdelay $0x1  }
0x4a: {  	(erf) = vpow2.f32 v1;
	v1 =	vmul.f32 $1.442695020e+00, v2;
	v2 =	vsub.f32 v5, v8;
	_ =	sdelay $0x1  }
0x4b: {  	(erf) = vpow2.f32 v1;
	v1 =	vmul.f32 $1.442695020e+00, v2;
	v2 =	vsub.f32 v6, v8;
	_ =	sdelay $0x1  }
0x4c: {  	(erf) = vpow2.f32 v1;
	v1 =	vmul.f32 $1.442695020e+00, v2;
	v2 =	vsub.f32 v7, v8;
	_ =	sdelay $0x1  }
0x4d: {  	v3 =	vpop (erf);
	(erf) = vpow2.f32 v1;
	v1 =	vmul.f32 $1.442695020e+00, v2;
	v2 =	vsub.f32 v9, v8  }
0x4e: {  	v55 =	vpop (erf)  }
0x4f: {  	(erf) = vpow2.f32 v1;
	v1 =	vmul.f32 $1.442695020e+00, v2;
	v2 =	vadd.f32 v55, v3;
	_ =	sdelay $0x1  }
0x50: {  	v56 =	vpop (erf)  }
0x51: {  	(erf) = vpow2.f32 v1;
	v1 =	vadd.f32 v2, v56  }
0x52: {  	v2 =	vpop (erf)  }
0x53: {  	v1 =	vadd.f32 v1, v2  }
0x54: {  	v57 =	vpop (erf)  }
0x55: {  	v1 =	vadd.f32 v1, v57  }
0x56: {  	v58 =	vpop (erf)  }
0x57: {  	v1 =	vadd.f32 v1, v58  }
0x58: {  	v59 =	vpop (erf)  }
0x59: {  	v1 =	vadd.f32 v1, v59  }
0x5a: {  	v60 =	vpop (erf)  }
0x5b: {  	v1 =	vadd.f32 v1, v60;
	_ =	sdelay $0x1  }
0x5c: {  	(erf) = vrcp.f32 v1;
	_ =	sdelay $0x8  }
0x5d: {  	v1 =	vpop (erf)  }
0x5e: {  	v3 =	vmul.f32 v1, v3;
	v4 =	vmul.f32 v1, v55  }
0x5f: {  	v10 =	vmul.f32 v1, v56  }
0x60: {  	v2 =	vmul.f32 v1, v2;
	v61 =	vmax.f32 v3, v4  }
0x61: {  	v6 =	vmul.f32 v1, v57;
	v5 =	vmax.f32 v61, v10  }
0x62: {  	v7 =	vmul.f32 v1, v58;
	v5 =	vmax.f32 v5, v2  }
0x63: {  	v11 =	vmul.f32 v1, v59;
	v5 =	vmax.f32 v5, v6  }
0x64: {  	v9 =	vmul.f32 v1, v60;
	v1 =	vmax.f32 v5, v7  }
0x65: {  	v1 =	vmax.f32 v1, v11  }
0x66: {  	v1 =	vmax.f32 v1, v9  }
0x67: {  	v15 =	vld [tilespmem:$0x10];
	vm0 =	veq.f32 v11, v1  }
0x68: {  	v17 =	vld [tilespmem:$0x50];
	vm14 =	veq.f32 v7, v1;
	v62 =	vsel vm0, $0x6, v0  }
0x69: {  	v19 =	vld [tilespmem:$0x90];
	vm15 =	veq.f32 v6, v1;
	v5 =	vsel vm14, $0x5, v62  }
0x6a: {  	v21 =	vld [tilespmem:$0xD0];
	vm4 =	veq.f32 v2, v1;
	vm5 =	veq.f32 v10, v1;
	v5 =	vsel vm15, $0x4, v5  }
0x6b: {  	vm6 =	veq.f32 v4, v1;
	vm14 =	vne.f32 v3, v1;
	v5 =	vsel vm4, $0x3, v5  }
0x6c: {  	vm15 =	vmand vm14, vm6;
	v5 =	vsel vm5, $0x2, v5  }
0x6d: {  	v18 =	vmax.f32 v15, v17;
	v8 =	vsel vm15, $0xBF800000, v4;
	v5 =	vsel vm6, $0x1, v5  }
0x6e: {  	v4 =	vmax.f32 v18, v19;
	v20 =	vnsel vm14, $0x0, v5;
	v5 =	vnsel vm14, $0xBF800000, v3;
	v3 =	vld [tilespmem:$0x110]  }
0x6f: {  	v25 =	vimm.s32 $0x0;
	v63 =	vld [tilespmem:$0x150];
	v4 =	vmax.f32 v4, v21;
	vm10 =	veq.s32 v20, $0x3  }
0x70: {  	vm12 =	veq.s32 v20, $0x2;
	vm8 =	veq.s32 v20, $0x4;
	v13 =	vsel vm10, $0xBF800000, v2;
	v2 =	vld [tilespmem:$0x190]  }
0x71: {  	v22 =	vld [tilespmem:$0x1D0];
	vm9 =	veq.s32 v20, $0x5;
	v24 =	vmax.f32 v5, v8;
	v12 =	vsel vm12, $0xBF800000, v10  }
0x72: {  	vm4 =	veq.s32 v20, $0x6;
	v14 =	vsel vm8, $0xBF800000, v6;
	v6 =	vmax.f32 v24, v12  }
0x73: {  	vm7 =	veq.s32 v20, $0x7;
	v6 =	vmax.f32 v6, v13;
	v4 =	vmax.f32 v4, v3  }
0x74: {  	v16 =	vsel vm9, $0xBF800000, v7;
	v6 =	vmax.f32 v6, v14;
	v4 =	vmax.f32 v4, v63  }
0x75: {  	v18 =	vsel vm4, $0xBF800000, v11;
	v6 =	vmax.f32 v6, v16;
	v4 =	vmax.f32 v4, v2  }
0x76: {  	v26 =	vsel vm7, $0xBF800000, v9;
	v6 =	vmax.f32 v6, v18;
	v27 =	vmax.f32 v4, v22  }
0x77: {  	v7 =	vsel vm7, $0xFFFFFFFF, v25;
	v4 =	vmax.f32 v6, v26;
	v28 =	vsub.f32 v15, v27  }
0x78: {  	[tilespmem:$0x1FFC0] =	vst v7;
	v7 =	vadd.f32 v4, v1;
	v29 =	vsub.f32 v17, v27  }
0x79: {  	v6 =	vmul.f32 $1.442695020e+00, v28  }
0x7a: {  	v31 =	vsub.f32 v19, v27;
	(erf) = vrcp.f32 v7;
	v30 =	vmul.f32 $1.442695020e+00, v29  }
0x7b: {  	(erf) = vpow2.f32 v6  }
0x7c: {  	v33 =	vsub.f32 v21, v27;
	v32 =	vmul.f32 $1.442695020e+00, v31;
	(erf) = vpow2.f32 v30;
	_ =	sdelay $0x1  }
0x7d: {  	v3 =	vsub.f32 v3, v27;
	v34 =	vmul.f32 $1.442695020e+00, v33;
	(erf) = vpow2.f32 v32;
	_ =	sdelay $0x1  }
0x7e: {  	v35 =	vsub.f32 v63, v27;
	v3 =	vmul.f32 $1.442695020e+00, v3;
	(erf) = vpow2.f32 v34;
	_ =	sdelay $0x1  }
0x7f: {  	v36 =	vsub.f32 v2, v27;
	(erf) = vpow2.f32 v3;
	v3 =	vmul.f32 $1.442695020e+00, v35  }
0x80: {  	v2 =	vpop (erf)  }
0x81: {  	v38 =	vsub.f32 v22, v27;
	v37 =	vpop (erf);
	(erf) = vpow2.f32 v3;
	v3 =	vmul.f32 $1.442695020e+00, v36  }
0x82: {  	v39 =	vpop (erf)  }
0x83: {  	(erf) = vpow2.f32 v3;
	v3 =	vmul.f32 $1.442695020e+00, v38;
	v40 =	vadd.f32 v39, v37  }
0x84: {  	v41 =	vpop (erf)  }
0x85: {  	(erf) = vpow2.f32 v3;
	v3 =	vadd.f32 v40, v41  }
0x86: {  	v42 =	vpop (erf)  }
0x87: {  	v3 =	vadd.f32 v3, v42  }
0x88: {  	v43 =	vpop (erf)  }
0x89: {  	v3 =	vadd.f32 v3, v43  }
0x8a: {  	v44 =	vpop (erf)  }
0x8b: {  	v3 =	vadd.f32 v3, v44  }
0x8c: {  	v45 =	vpop (erf)  }
0x8d: {  	v3 =	vadd.f32 v3, v45  }
0x8e: {  	v46 =	vpop (erf)  }
0x8f: {  	v3 =	vadd.f32 v3, v46;
	_ =	sdelay $0x1  }
0x90: {  	(erf) = vrcp.f32 v3;
	_ =	sdelay $0x8  }
0x91: {  	v3 =	vpop (erf)  }
0x92: {  	v7 =	vmul.f32 v3, v37;
	v47 =	vmul.f32 v3, v39  }
0x93: {  	v48 =	vmul.f32 v3, v41  }
0x94: {  	v6 =	vmul.f32 v3, v42;
	v9 =	vmax.f32 v7, v47  }
0x95: {  	v49 =	vmul.f32 v3, v43;
	v9 =	vmax.f32 v9, v48  }
0x96: {  	v23 =	vmul.f32 v3, v44;
	v9 =	vmax.f32 v9, v6  }
0x97: {  	v24 =	vmul.f32 v3, v45;
	v9 =	vmax.f32 v9, v49  }
0x98: {  	v19 =	vmul.f32 v3, v46;
	v3 =	vmax.f32 v9, v23  }
0x99: {  	v3 =	vmax.f32 v3, v24  }
0x9a: {  	v3 =	vmax.f32 v3, v19  }
0x9b: {  	v25 =	vld [tilespmem:$0x20];
	vm11 =	veq.f32 v24, v3  }
0x9c: {  	v26 =	vld [tilespmem:$0x60];
	vm13 =	veq.f32 v23, v3;
	v50 =	vsel vm11, $0x6, v0  }
0x9d: {  	vm5 =	veq.f32 v49, v3;
	v9 =	vsel vm13, $0x5, v50  }
0x9e: {  	vm6 =	veq.f32 v6, v3;
	v9 =	vsel vm5, $0x4, v9  }
0x9f: {  	v55 =	vimm.s32 $0x0;
	vm7 =	veq.f32 v48, v3;
	v9 =	vsel vm6, $0x3, v9  }
0xa0: {  	v57 =	vimm.s32 $0x0;
	vm11 =	veq.f32 v47, v3;
	v9 =	vsel vm7, $0x2, v9  }
0xa1: {  	v27 =	vld [tilespmem:$0xA0];
	v54 =	vmax.f32 v25, v26;
	vm13 =	vne.f32 v7, v3;
	v9 =	vsel vm11, $0x1, v9  }
0xa2: {  	v29 =	vld [tilespmem:$0xE0];
	vm11 =	vmand vm13, vm11;
	v28 =	vnsel vm13, $0x0, v9;
	v9 =	vnsel vm13, $0xBF800000, v7  }
0xa3: {  	v51 =	vld [tilespmem:$0x120];
	v10 =	vsel vm11, $0xBF800000, v47;
	vm7 =	veq.s32 v28, $0x2;
	vm6 =	veq.s32 v28, $0x3  }
0xa4: {  	v52 =	vld [tilespmem:$0x160];
	vm5 =	veq.s32 v28, $0x4;
	vm0 =	veq.s32 v28, $0x5;
	v56 =	vmax.f32 v9, v10  }
0xa5: {  	v53 =	vld [tilespmem:$0x1A0];
	v11 =	vsel vm7, $0xBF800000, v48;
	v15 =	vsel vm6, $0xBF800000, v6;
	v17 =	vsel vm5, $0xBF800000, v49  }
0xa6: {  	v30 =	vld [tilespmem:$0x1E0];
	v22 =	vsel vm0, $0xFFFFFFFF, v55;
	v6 =	vmax.f32 v54, v27;
	v31 =	vsel vm0, $0xBF800000, v23  }
0xa7: {  	vm0 =	veq.s32 v28, $0x6;
	[tilespmem:$0x1FFD0] =	vst v22;
	v22 =	vmax.f32 v56, v11;
	v6 =	vmax.f32 v6, v29  }
0xa8: {  	v23 =	vsel vm0, $0xFFFFFFFF, v57;
	v22 =	vmax.f32 v22, v15;
	v6 =	vmax.f32 v6, v51  }
0xa9: {  	v24 =	vsel vm0, $0xBF800000, v24;
	v22 =	vmax.f32 v22, v17;
	v6 =	vmax.f32 v6, v52  }
0xaa: {  	vm0 =	veq.s32 v28, $0x7;
	v22 =	vmax.f32 v22, v31;
	v6 =	vmax.f32 v6, v53  }
0xab: {  	v19 =	vsel vm0, $0xBF800000, v19;
	v22 =	vmax.f32 v22, v24;
	v59 =	vmax.f32 v6, v30  }
0xac: {  	v6 =	vmax.f32 v22, v19;
	v60 =	vsub.f32 v25, v59  }
0xad: {  	v61 =	vsub.f32 v26, v59;
	v22 =	vadd.f32 v6, v3  }
0xae: {  	v19 =	vmul.f32 $1.442695020e+00, v60  }
0xaf: {  	v63 =	vsub.f32 v27, v59;
	v62 =	vmul.f32 $1.442695020e+00, v61;
	(erf) = vrcp.f32 v22  }
0xb0: {  	(erf) = vpow2.f32 v19  }
0xb1: {  	v28 =	vsub.f32 v29, v59;
	v27 =	vmul.f32 $1.442695020e+00, v63;
	(erf) = vpow2.f32 v62  }
0xb2: {  	v7 =	vsub.f32 v51, v59  }
0xb3: {  	v29 =	vmul.f32 $1.442695020e+00, v28;
	(erf) = vpow2.f32 v27  }
0xb4: {  	v7 =	vmul.f32 $1.442695020e+00, v7  }
0xb5: {  	v32 =	vsub.f32 v52, v59;
	(erf) = vpow2.f32 v29;
	_ =	sdelay $0x1  }
0xb6: {  	v33 =	vsub.f32 v53, v59;
	v19 =	vmul.f32 $1.442695020e+00, v32;
	(erf) = vpow2.f32 v7  }
0xb7: {  	v7 =	vpop (erf)  }
0xb8: {  	v36 =	vsub.f32 v30, v59;
	v35 =	vmul.f32 $1.442695020e+00, v33;
	v34 =	vpop (erf);
	(erf) = vpow2.f32 v19  }
0xb9: {  	v37 =	vpop (erf)  }
0xba: {  	v38 =	vmul.f32 $1.442695020e+00, v36;
	(erf) = vpow2.f32 v35;
	v39 =	vadd.f32 v37, v34  }
0xbb: {  	v40 =	vpop (erf)  }
0xbc: {  	(erf) = vpow2.f32 v38;
	v41 =	vadd.f32 v39, v40  }
0xbd: {  	v42 =	vpop (erf)  }
0xbe: {  	v19 =	vadd.f32 v41, v42  }
0xbf: {  	v43 =	vpop (erf)  }
0xc0: {  	v19 =	vadd.f32 v19, v43  }
0xc1: {  	v44 =	vpop (erf)  }
0xc2: {  	v19 =	vadd.f32 v19, v44  }
0xc3: {  	v45 =	vpop (erf)  }
0xc4: {  	v58 =	vimm.s32 $0x0;
	v19 =	vadd.f32 v19, v45  }
0xc5: {  	vm1 =	vne.f32 v5, v4;
	[tilespmem:$0x1FFE0] =	vst v23;
	v23 =	vsel vm0, $0xFFFFFFFF, v58;
	vm0 =	veq.f32 v18, v4;
	v46 =	vpop (erf)  }
0xc6: {  	v18 =	vsel vm0, $0x6, v0;
	vm0 =	veq.f32 v16, v4;
	v19 =	vadd.f32 v19, v46  }
0xc7: {  	v21 =	vnsel vm12, $0x0, v1;
	v16 =	vsel vm0, $0x5, v18;
	vm0 =	veq.f32 v14, v4  }
0xc8: {  	v14 =	vsel vm0, $0x4, v16;
	vm0 =	veq.f32 v13, v4;
	(erf) = vrcp.f32 v19  }
0xc9: {  	v18 =	vsel vm14, $0x0, v1;
	v13 =	vsel vm0, $0x3, v14;
	vm0 =	veq.f32 v12, v4  }
0xca: {  	v26 =	vnsel vm10, $0x0, v1;
	v12 =	vsel vm0, $0x2, v13;
	vm0 =	veq.f32 v8, v4  }
0xcb: {  	vm2 =	veq.f32 v17, v6;
	vm3 =	veq.f32 v15, v6;
	v8 =	vsel vm0, $0x1, v12  }
0xcc: {  	vm0 =	vmand vm1, vm0;
	v50 =	vnsel vm1, $0x0, v8;
	v22 =	vsel vm1, $0x0, v4  }
0xcd: {  	[tilespmem:$0x1FFF0] =	vst v23;
	v23 =	vnsel vm0, $0x0, v4;
	v19 =	vnsel vm15, $0x0, v1;
	vm15 =	veq.s32 v50, $0x2  }
0xce: {  	vm10 =	veq.s32 v50, $0x3;
	v18 =	vadd.f32 v22, v18;
	v25 =	vnsel vm15, $0x0, v4  }
0xcf: {  	vm12 =	veq.s32 v50, $0x4;
	v19 =	vadd.f32 v23, v19;
	v21 =	vadd.f32 v25, v21  }
0xd0: {  	v33 =	vnsel vm10, $0x0, v4;
	v27 =	vnsel vm8, $0x0, v1;
	vm8 =	veq.f32 v24, v6  }
0xd1: {  	v57 =	vld [tilespmem:$0x30];
	v24 =	vsel vm8, $0x6, v0;
	v19 =	vmul.f32 v19, v2;
	v21 =	vmul.f32 v21, v2;
	v47 =	vpop (erf)  }
0xd2: {  	v36 =	vld [tilespmem:$0x70];
	v29 =	vnsel vm11, $0x0, v3;
	v48 =	vmul.f32 v47, v34;
	v49 =	vmul.f32 v47, v37  }
0xd3: {  	vm11 =	vne.f32 v9, v6;
	v38 =	vld [tilespmem:$0xB0];
	v51 =	vmul.f32 v47, v40;
	v52 =	vmul.f32 v47, v42  }
0xd4: {  	v35 =	vnsel vm9, $0x0, v1;
	v54 =	vmul.f32 v47, v43;
	v55 =	vmul.f32 v47, v44  }
0xd5: {  	v32 =	vmul.f32 v47, v45;
	v28 =	vmul.f32 v47, v46;
	v53 =	vmax.f32 v48, v49  }
0xd6: {  	v34 =	vnsel vm12, $0x0, v4;
	vm12 =	veq.f32 v31, v6;
	v5 =	vmax.f32 v53, v51  }
0xd7: {  	v44 =	vmax.f32 v57, v36;
	v37 =	vsel vm12, $0x5, v24;
	v5 =	vmax.f32 v5, v52  }
0xd8: {  	v44 =	vmax.f32 v44, v38;
	v27 =	vadd.f32 v34, v27;
	v5 =	vmax.f32 v5, v54  }
0xd9: {  	v40 =	vld [tilespmem:$0xF0];
	v17 =	vsel vm2, $0x4, v37;
	vm2 =	veq.s32 v50, $0x5;
	v5 =	vmax.f32 v5, v55  }
0xda: {  	v41 =	vld [tilespmem:$0x130];
	v37 =	vsel vm11, $0x0, v6;
	v15 =	vsel vm3, $0x3, v17;
	v5 =	vmax.f32 v5, v32  }
0xdb: {  	v17 =	vnsel vm2, $0x0, v4;
	vm2 =	veq.s32 v50, $0x7;
	v5 =	vmax.f32 v5, v28  }
0xdc: {  	v42 =	vld [tilespmem:$0x170];
	vm3 =	veq.f32 v11, v6;
	v27 =	vmul.f32 v27, v2;
	vm14 =	veq.f32 v32, v5  }
0xdd: {  	v43 =	vld [tilespmem:$0x1B0];
	v17 =	vadd.f32 v17, v35;
	vm15 =	veq.f32 v55, v5;
	v56 =	vsel vm14, $0x6, v0  }
0xde: {  	v59 =	vld [tilespmem:$0x1F0];
	v44 =	vmax.f32 v44, v40;
	vm9 =	veq.f32 v54, v5;
	v12 =	vsel vm15, $0x5, v56  }
0xdf: {  	v44 =	vmax.f32 v44, v41;
	vm10 =	veq.f32 v52, v5;
	v12 =	vsel vm9, $0x4, v12  }
0xe0: {  	v17 =	vmul.f32 v17, v2;
	vm14 =	veq.f32 v51, v5;
	v12 =	vsel vm10, $0x3, v12  }
0xe1: {  	v44 =	vmax.f32 v44, v42;
	vm15 =	veq.f32 v49, v5;
	v12 =	vsel vm14, $0x2, v12  }
0xe2: {  	v60 =	vmax.f32 v44, v43;
	vm0 =	vne.f32 v48, v5;
	v12 =	vsel vm15, $0x1, v12  }
0xe3: {  	v61 =	vmax.f32 v60, v59;
	vm1 =	vmand vm0, vm15;
	v39 =	vnsel vm0, $0x0, v12  }
0xe4: {  	v13 =	vsel vm1, $0xBF800000, v49;
	v12 =	vnsel vm0, $0xBF800000, v48;
	vm15 =	veq.s32 v39, $0x2  }
0xe5: {  	vm14 =	veq.s32 v39, $0x3;
	v58 =	vmax.f32 v12, v13;
	v14 =	vsel vm15, $0xBF800000, v51  }
0xe6: {  	vm12 =	veq.s32 v39, $0x4;
	v16 =	vsel vm14, $0xBF800000, v52;
	v8 =	vmax.f32 v58, v14  }
0xe7: {  	vm10 =	veq.s32 v39, $0x5;
	v20 =	vsel vm12, $0xBF800000, v54;
	v8 =	vmax.f32 v8, v16  }
0xe8: {  	vm9 =	veq.s32 v39, $0x6;
	v24 =	vsel vm10, $0xBF800000, v55;
	v8 =	vmax.f32 v8, v20  }
0xe9: {  	vm8 =	veq.s32 v39, $0x7;
	v32 =	vsel vm9, $0xBF800000, v32;
	v8 =	vmax.f32 v8, v24  }
0xea: {  	v31 =	vsub.f32 v57, v61;
	v28 =	vsel vm8, $0xBF800000, v28;
	v8 =	vmax.f32 v8, v32  }
0xeb: {  	v36 =	vsub.f32 v36, v61;
	v63 =	vsub.f32 v38, v61;
	v8 =	vmax.f32 v8, v28  }
0xec: {  	v46 =	vld [tilespmem:$0x1FFC0];
	v38 =	vnsel vm4, $0x0, v1;
	vm4 =	veq.s32 v50, $0x6;
	v62 =	vadd.f32 v8, v5  }
0xed: {  	v45 =	vsub.f32 v40, v61;
	v31 =	vmul.f32 $1.442695020e+00, v31;
	v36 =	vmul.f32 $1.442695020e+00, v36  }
0xee: {  	v44 =	vmul.f32 $1.442695020e+00, v63;
	v48 =	vsub.f32 v41, v61;
	(erf) = vrcp.f32 v62  }
0xef: {  	v47 =	vmul.f32 $1.442695020e+00, v45;
	v49 =	vsub.f32 v42, v61;
	(erf) = vpow2.f32 v31  }
0xf0: {  	v63 =	vnsel vm5, $0x0, v3;
	v50 =	vmul.f32 $1.442695020e+00, v48;
	(erf) = vpow2.f32 v36  }
0xf1: {  	v51 =	vmul.f32 $1.442695020e+00, v49;
	v31 =	vnsel vm4, $0x0, v4;
	vm4 =	vnez.u8 v46  }
0xf2: {  	v52 =	vsub.f32 v43, v61;
	v11 =	vnsel vm4, $0x0, v1;
	(erf) = vpow2.f32 v44  }
0xf3: {  	v1 =	vsel vm3, $0x2, v15;
	v36 =	vsel vm13, $0x0, v3;
	vm13 =	veq.f32 v10, v6  }
0xf4: {  	v54 =	vsub.f32 v59, v61;
	v1 =	vsel vm13, $0x1, v1;
	(erf) = vpow2.f32 v47  }
0xf5: {  	v55 =	vnsel vm7, $0x0, v3;
	v59 =	vnsel vm6, $0x0, v3;
	v53 =	vmul.f32 $1.442695020e+00, v52  }
0xf6: {  	v57 =	vmul.f32 $1.442695020e+00, v54;
	v62 =	vadd.f32 v33, v26;
	(erf) = vpow2.f32 v50  }
0xf7: {  	v4 =	vnsel vm2, $0x0, v4;
	v31 =	vadd.f32 v31, v38;
	v10 =	vnsel vm11, $0x0, v1;
	v1 =	vpop (erf)  }
0xf8: {  	v25 =	vmul.f32 v62, v2;
	vm2 =	vmand vm11, vm13;
	(erf) = vpow2.f32 v51;
	v39 =	vpop (erf)  }
0xf9: {  	v4 =	vadd.f32 v4, v11;
	v11 =	vmul.f32 v18, v2;
	v28 =	vnsel vm2, $0x0, v6;
	v41 =	vpop (erf)  }
0xfa: {  	vm13 =	veq.s32 v10, $0x2;
	(erf) = vpow2.f32 v53;
	v58 =	vadd.f32 v41, v39  }
0xfb: {  	vm4 =	veq.s32 v10, $0x3;
	vm6 =	veq.s32 v10, $0x4;
	vm11 =	veq.s32 v10, $0x5;
	v23 =	vpop (erf)  }
0xfc: {  	v28 =	vadd.f32 v28, v29;
	(erf) = vpow2.f32 v57;
	v60 =	vadd.f32 v58, v23  }
0xfd: {  	v50 =	vld [tilespmem:$0x1FFD0];
	v29 =	vmul.f32 v31, v2;
	v56 =	vnsel vm13, $0x0, v6;
	v61 =	vnsel vm4, $0x0, v6;
	v42 =	vpop (erf)  }
0xfe: {  	v48 =	vnsel vm6, $0x0, v6;
	vm4 =	veq.s32 v10, $0x6;
	v9 =	vadd.f32 v60, v42  }
0xff: {  	vm6 =	veq.f32 v32, v8;
	v30 =	vadd.f32 v56, v55;
	v53 =	vadd.f32 v37, v36;
	v49 =	vpop (erf)  }
0x100: {  	v37 =	vmul.f32 v4, v2;
	v2 =	vadd.f32 v61, v59;
	v59 =	vld [tilespmem:$0x1FFE0];
	v9 =	vadd.f32 v9, v49  }
0x101: {  	v26 =	vmul.f32 v28, v7;
	v51 =	vnsel vm11, $0x0, v6;
	v28 =	vmul.f32 v30, v7;
	v52 =	vpop (erf)  }
0x102: {  	vm11 =	veq.f32 v24, v8;
	vm7 =	vnez.u8 v50;
	v9 =	vadd.f32 v9, v52  }
0x103: {  	v34 =	vnsel vm7, $0x0, v3;
	v57 =	vadd.f32 v48, v63;
	v30 =	vmul.f32 v2, v7;
	v2 =	vld [tilespmem:$0x1FFF0];
	v54 =	vpop (erf)  }
0x104: {  	vm7 =	veq.s32 v10, $0x7;
	v18 =	vmul.f32 v53, v7;
	v9 =	vadd.f32 v9, v54  }
0x105: {  	v58 =	vadd.f32 v51, v34;
	v51 =	vnsel vm14, $0x0, v5;
	vm13 =	vnez.u8 v59;
	v55 =	vpop (erf)  }
0x106: {  	v22 =	vnsel vm13, $0x0, v3;
	v60 =	vnsel vm4, $0x0, v6;
	v56 =	vadd.f32 v9, v55  }
0x107: {  	v4 =	vmul.f32 v58, v7;
	v6 =	vnsel vm7, $0x0, v6;
	vm13 =	veq.f32 v20, v8  }
0x108: {  	vm4 =	veq.f32 v16, v8;
	vm5 =	vnez.u8 v2;
	(erf) = vrcp.f32 v56  }
0x109: {  	vm7 =	vne.f32 v12, v8;
	v2 =	vnsel vm5, $0x0, v3;
	v3 =	vsel vm6, $0x6, v0  }
0x10a: {  	v22 =	vadd.f32 v60, v22;
	v12 =	vsel vm7, $0x0, v8;
	v3 =	vsel vm11, $0x5, v3  }
0x10b: {  	vm5 =	veq.f32 v14, v8;
	v2 =	vadd.f32 v6, v2;
	v3 =	vsel vm13, $0x4, v3  }
0x10c: {  	vm6 =	veq.f32 v13, v8;
	v6 =	vmul.f32 v22, v7;
	v3 =	vsel vm4, $0x3, v3  }
0x10d: {  	v9 =	vmul.f32 v57, v7;
	v7 =	vmul.f32 v2, v7;
	v2 =	vsel vm5, $0x2, v3  }
0x10e: {  	vm11 =	vmand vm7, vm6;
	v3 =	vsel vm0, $0x0, v5;
	v2 =	vsel vm6, $0x1, v2  }
0x10f: {  	v46 =	vnsel vm11, $0x0, v8;
	v3 =	vadd.f32 v12, v3;
	v15 =	vnsel vm7, $0x0, v2  }
0x110: {  	v2 =	vnsel vm1, $0x0, v5;
	v56 =	vnsel vm10, $0x0, v5;
	vm13 =	veq.s32 v15, $0x2  }
0x111: {  	vm7 =	veq.s32 v15, $0x4;
	vm14 =	veq.s32 v15, $0x5;
	v3 =	vmul.f32 v3, v1;
	v61 =	vpop (erf)  }
0x112: {  	v50 =	vnsel vm13, $0x0, v8;
	v62 =	vmul.f32 v61, v39;
	v63 =	vmul.f32 v61, v41  }
0x113: {  	v57 =	vnsel vm14, $0x0, v8;
	v40 =	vmul.f32 v61, v23;
	v41 =	vmul.f32 v61, v42  }
0x114: {  	v45 =	vmul.f32 v61, v49;
	v47 =	vmul.f32 v61, v52;
	v23 =	vadd.f32 v46, v2  }
0x115: {  	v48 =	vmul.f32 v61, v54;
	v10 =	vmul.f32 v61, v55;
	v42 =	vmax.f32 v62, v63  }
0x116: {  	v49 =	vnsel vm15, $0x0, v5;
	vm15 =	veq.s32 v15, $0x3;
	v20 =	vmax.f32 v42, v40  }
0x117: {  	v54 =	vnsel vm12, $0x0, v5;
	v55 =	vnsel vm7, $0x0, v8;
	v20 =	vmax.f32 v20, v41  }
0x118: {  	v61 =	vnsel vm9, $0x0, v5;
	v52 =	vnsel vm15, $0x0, v8;
	v2 =	vmax.f32 v20, v45  }
0x119: {  	v34 =	vadd.f32 v55, v54;
	vm15 =	veq.s32 v15, $0x6;
	v2 =	vmax.f32 v2, v47  }
0x11a: {  	v31 =	vadd.f32 v52, v51;
	v32 =	vnsel vm15, $0x0, v8;
	v2 =	vmax.f32 v2, v48  }
0x11b: {  	[tilespmem:$0x280] =	vst v21;
	v5 =	vnsel vm8, $0x0, v5;
	v21 =	vadd.f32 v32, v61;
	v2 =	vmax.f32 v2, v10  }
0x11c: {  	v44 =	vmul.f32 v34, v1;
	v43 =	vmul.f32 v31, v1;
	vm4 =	veq.f32 v48, v2  }
0x11d: {  	v20 =	vadd.f32 v50, v49;
	vm5 =	veq.f32 v47, v2;
	v53 =	vsel vm4, $0x6, v0  }
0x11e: {  	[tilespmem:$0x220] =	vst v3;
	v3 =	vmul.f32 v21, v1;
	vm6 =	veq.f32 v45, v2;
	v33 =	vsel vm5, $0x5, v53  }
0x11f: {  	v42 =	vmul.f32 v20, v1;
	vm11 =	veq.f32 v41, v2;
	v33 =	vsel vm6, $0x4, v33  }
0x120: {  	vm12 =	veq.f32 v40, v2;
	vm7 =	vne.f32 v62, v2;
	v33 =	vsel vm11, $0x3, v33  }
0x121: {  	vm13 =	veq.f32 v63, v2;
	v13 =	vnsel vm7, $0xBF800000, v62;
	v33 =	vsel vm12, $0x2, v33  }
0x122: {  	v38 =	vsel vm7, $0x0, v2;
	vm6 =	vmand vm7, vm13;
	v33 =	vsel vm13, $0x1, v33  }
0x123: {  	v14 =	vsel vm6, $0xBF800000, v63;
	v46 =	vnsel vm6, $0x0, v2;
	v33 =	vnsel vm7, $0x0, v33  }
0x124: {  	[tilespmem:$0x240] =	vst v19;
	v58 =	vmax.f32 v13, v14;
	vm13 =	veq.s32 v15, $0x7;
	vm5 =	veq.s32 v33, $0x2  }
0x125: {  	[tilespmem:$0x300] =	vst v27;
	v8 =	vnsel vm13, $0x0, v8;
	vm4 =	veq.s32 v33, $0x3;
	v12 =	vsel vm5, $0xBF800000, v40  }
0x126: {  	[tilespmem:$0x340] =	vst v17;
	vm3 =	veq.s32 v33, $0x4;
	v16 =	vsel vm4, $0xBF800000, v41;
	v59 =	vmax.f32 v58, v12  }
0x127: {  	[tilespmem:$0x200] =	vst v11;
	vm2 =	veq.s32 v33, $0x5;
	v60 =	vsel vm3, $0xBF800000, v45;
	v11 =	vmax.f32 v59, v16  }
0x128: {  	[tilespmem:$0x2C0] =	vst v25;
	vm1 =	veq.s32 v33, $0x6;
	v62 =	vsel vm2, $0xBF800000, v47;
	v11 =	vmax.f32 v11, v60  }
0x129: {  	[tilespmem:$0x380] =	vst v29;
	vm0 =	veq.s32 v33, $0x7;
	v63 =	vsel vm1, $0xBF800000, v48;
	v11 =	vmax.f32 v11, v62  }
0x12a: {  	[tilespmem:$0x250] =	vst v26;
	v33 =	vadd.f32 v57, v56;
	v10 =	vsel vm0, $0xBF800000, v10;
	v11 =	vmax.f32 v11, v63  }
0x12b: {  	[tilespmem:$0x290] =	vst v28;
	v5 =	vadd.f32 v8, v5;
	v41 =	vmul.f32 v23, v1;
	v10 =	vmax.f32 v11, v10  }
0x12c: {  	[tilespmem:$0x3C0] =	vst v37;
	v51 =	vnsel vm5, $0x0, v2;
	v53 =	vnsel vm4, $0x0, v2;
	v11 =	vadd.f32 v10, v2  }
0x12d: {  	[tilespmem:$0x210] =	vst v18;
	v55 =	vnsel vm3, $0x0, v2;
	v61 =	vnsel vm1, $0x0, v2;
	vm12 =	veq.f32 v63, v10  }
0x12e: {  	[tilespmem:$0x2D0] =	vst v30;
	vm14 =	veq.f32 v62, v10;
	v35 =	vsel vm12, $0x6, v0;
	(erf) = vrcp.f32 v11  }
0x12f: {  	[tilespmem:$0x350] =	vst v4;
	v45 =	vmul.f32 v33, v1;
	vm15 =	veq.f32 v60, v10;
	v15 =	vsel vm14, $0x5, v35  }
0x130: {  	[tilespmem:$0x390] =	vst v6;
	v1 =	vmul.f32 v5, v1;
	vm12 =	veq.f32 v16, v10;
	v36 =	vsel vm15, $0x4, v15  }
0x131: {  	[tilespmem:$0x310] =	vst v9;
	v58 =	vnsel vm2, $0x0, v2;
	vm14 =	veq.f32 v12, v10;
	v37 =	vsel vm12, $0x3, v36  }
0x132: {  	[tilespmem:$0x3D0] =	vst v7;
	vm13 =	vne.f32 v13, v10;
	vm15 =	veq.f32 v14, v10;
	v8 =	vsel vm14, $0x2, v37  }
0x133: {  	[tilespmem:$0x320] =	vst v44;
	v2 =	vnsel vm0, $0x0, v2;
	vm7 =	vmand vm13, vm15;
	v8 =	vsel vm15, $0x1, v8  }
0x134: {  	[tilespmem:$0x2E0] =	vst v43;
	v39 =	vsel vm13, $0x0, v10;
	v47 =	vnsel vm7, $0x0, v10;
	v8 =	vnsel vm13, $0x0, v8  }
0x135: {  	[tilespmem:$0x3A0] =	vst v3;
	v40 =	vadd.f32 v39, v38;
	v49 =	vadd.f32 v47, v46;
	vm10 =	veq.s32 v8, $0x2  }
0x136: {  	[tilespmem:$0x2A0] =	vst v42;
	vm11 =	veq.s32 v8, $0x3;
	vm12 =	veq.s32 v8, $0x4;
	vm13 =	veq.s32 v8, $0x5  }
0x137: {  	[tilespmem:$0x260] =	vst v41;
	vm14 =	veq.s32 v8, $0x6;
	vm15 =	veq.s32 v8, $0x7;
	v52 =	vnsel vm10, $0x0, v10;
	v48 =	vpop (erf)  }
0x138: {  	[tilespmem:$0x360] =	vst v45;
	v54 =	vnsel vm11, $0x0, v10;
	v9 =	vadd.f32 v52, v51;
	v50 =	vmul.f32 v40, v48  }
0x139: {  	[tilespmem:$0x3E0] =	vst v1;
	v56 =	vnsel vm12, $0x0, v10;
	v7 =	vadd.f32 v54, v53;
	v5 =	vmul.f32 v49, v48  }
0x13a: {  	v59 =	vnsel vm13, $0x0, v10;
	v57 =	vadd.f32 v56, v55;
	v3 =	vmul.f32 v9, v48;
	[tilespmem:$0x230] =	vst v50  }
0x13b: {  	v62 =	vnsel vm14, $0x0, v10;
	v1 =	vmul.f32 v7, v48;
	v7 =	vadd.f32 v59, v58;
	[tilespmem:$0x270] =	vst v5  }
0x13c: {  	v63 =	vnsel vm15, $0x0, v10;
	v60 =	vmul.f32 v57, v48;
	[tilespmem:$0x2B0] =	vst v3;
	v3 =	vadd.f32 v62, v61  }
0x13d: {  	v2 =	vadd.f32 v63, v2;
	[tilespmem:$0x2F0] =	vst v1;
	v1 =	vmul.f32 v7, v48  }
0x13e: {  	[tilespmem:$0x330] =	vst v60;
	v3 =	vmul.f32 v3, v48  }
0x13f: {  	[tilespmem:$0x370] =	vst v1;
	v1 =	vmul.f32 v2, v48  }
0x140: {  	[tilespmem:$0x3B0] =	vst v3  }
0x141: {  	[tilespmem:$0x3F0] =	vst v1  }
0x142: {  	[hbm4b:s7+s2] =	stream.linear.scatter [tilespmem:s24], [sflag:$0x1], $0x40, $0x38;
	[tilespmem:$0x400] =	vst v63  }
0x143: {  	_ =	swait.ge [sflag:s16], $0x40  }
0x144: {  	[sflag:s16] =	ssyncset.done $0x0  }
0x145: {  	[sflag:s16] =	ssyncadd.s32 $0xFFFFFFC0  }
0x146: {  	[hbm4b:s8+s2] =	stream.linear.scatter [tilespmem:s25], [sflag:$0x1], $0x40, $0x38;
	[tilespmem:$0x400] =	vst v63  }
0x147: {  	_ =	swait.ge [sflag:s16], $0x40  }
0x148: {  	[sflag:s16] =	ssyncset.done $0x0  }
0x149: {  	[sflag:s16] =	ssyncadd.s32 $0xFFFFFFC0  }
0x14a: {  	[hbm4b:s9+s2] =	stream.linear.scatter [tilespmem:s26], [sflag:$0x1], $0x40, $0x38;
	[tilespmem:$0x400] =	vst v63  }
0x14b: {  	_ =	swait.ge [sflag:s16], $0x40  }
0x14c: {  	[sflag:s16] =	ssyncset.done $0x0  }
0x14d: {  	[sflag:s16] =	ssyncadd.s32 $0xFFFFFFC0  }
0x14e: {  	[hbm4b:s10+s2] =	stream.linear.scatter [tilespmem:s28], [sflag:$0x1], $0x40, $0x38;
	[tilespmem:$0x400] =	vst v63  }
0x14f: {  	_ =	swait.ge [sflag:s16], $0x40  }
0x150: {  	[sflag:s16] =	ssyncset.done $0x0  }
0x151: {  	[sflag:s16] =	ssyncadd.s32 $0xFFFFFFC0  }
0x152: {  	[hbm4b:s11+s2] =	stream.linear.scatter [tilespmem:s29], [sflag:$0x1], $0x40, $0x38;
	[tilespmem:$0x400] =	vst v63  }
0x153: {  	_ =	swait.ge [sflag:s16], $0x40  }
0x154: {  	[sflag:s16] =	ssyncset.done $0x0  }
0x155: {  	[sflag:s16] =	ssyncadd.s32 $0xFFFFFFC0  }
0x156: {  	[hbm4b:s12+s2] =	stream.linear.scatter [tilespmem:s30], [sflag:$0x1], $0x40, $0x38;
	[tilespmem:$0x400] =	vst v63  }
0x157: {  	_ =	swait.ge [sflag:s16], $0x40  }
0x158: {  	[sflag:s16] =	ssyncset.done $0x0  }
0x159: {  	[sflag:s16] =	ssyncadd.s32 $0xFFFFFFC0  }
0x15a: {  	[hbm4b:s13+s2] =	stream.linear.scatter [tilespmem:s31], [sflag:$0x1], $0x40, $0x38;
	[tilespmem:$0x400] =	vst v63  }
0x15b: {  	_ =	swait.ge [sflag:s16], $0x40  }
0x15c: {  	p0 =	sne.s32 s15, $0x1;
	[sflag:s16] =	ssyncset.done $0x0  }
.Ltmp0:
0x15d: {  	[sflag:s16] =	ssyncadd.s32 $0xFFFFFFC0;
	(pc) =	sbr.rel @p0 .LBB2_1-.Ltmp0, $4  }
0x15e: {  	[hbm4b:s14+s2] =	stream.linear.scatter [tilespmem:s0], [sflag:$0x1], $0x40, $0x38;
	[tilespmem:$0x400] =	vst v63  }
0x15f: {  	_ =	swait.ge [sflag:s16], $0x40  }
0x160: {  	[sflag:s16] =	ssyncset.done $0x0  }
0x161: {  	s15 =	sadd.s32 $0xFFFFFFFF, s15;
	[sflag:s16] =	ssyncadd.s32 $0xFFFFFFC0  }
0x162: {  	_ =	sfence.sel $0x180000  }
0x163: {  	[bflag:$0x0] =	sbarrier.arrive $0xFFFF  }
0x164: {  	_ =	strace $0x90000047  }
0x165: {  	s0 =	stileid.u32;
	[bflag:$0x2] =	sbarrier.arrive $0xFFFF  }
0x166: {  	p0 =	sne.s32 s0, $0x0;
	s0 =	rddreg [dreg:$0x2]  }
0x167: {  	s0 =	sadd.s32 @!p0 $0x100000, s0  }
0x168: {  	[sflag:s0] =	ssyncadd.tile.s32 @!p0 $0x1;
	_ =	shalt  }
.Lfunc_end2:
_tile_overlayer_lowered:
.L_overlay_start_2:
0x169: {  	(tag) =	ssettag $0x2  }
0x16a: {  	s0 =	rddreg [dreg:$0x0];
	s2 =	stileid.u32  }
0x16b: {  	s1 =	rddreg [dreg:$0x1];
	p0 =	sne.s32 s2, $0x0  }
0x16c: {  	s3 =	rddreg [dreg:$0x2];
	[bflag:$0x3] =	sbarrier.arrive $0xFFFF;
	s2 =	simm.s32 @!p0 $0x1C01  }
0x16d: {  	[timem:s3], [sflag:s2] =	dma.local @!p0 [hbm:s0], s1  }
0x16e: {  	s0 =	simm.s32 @!p0 $0x1  }
0x16f: {  	_ =	swait.ge @!p0 [sflag:s0], s1  }
0x170: {  	s1 =	ssub.s32 @!p0 $0x0, s1;
	[sflag:s0] =	ssyncset.done @!p0 $0x0  }
0x171: {  	[sflag:s0] =	ssyncadd.s32 @!p0 s1  }
0x172: {  	[bflag:$0x3] =	sbarrier.arrive $0xFFFF  }
0x173: {  	_ =	shalt  }

</sc_bundles>
